<compile_context>
chip_gen: v7x
topology: tpu7x:2x2x1
jax: 0.10.2.dev20260603
libtpu: 0.0.44.dev20260713+nightly
codegen_flags: <defaults>
</compile_context>

<pallas_src>
import math

import jax
import jax.numpy as jnp
from jax.experimental import pallas as pl
from jax.experimental.pallas import tpu as pltpu

_B, _A, _NC, _REG_MAX, _NMAX, _TOPK = 16, 8400, 80, 16, 32, 10
_ALPHA, _BETA, _EPS = 0.5, 6.0, 1e-9
_CEPS = 1e-7

_NT = 6
_TA = _A // _NT

_ATAN_COEFFS = (
    9.9999999773e-01, -3.3333285376e-01, 1.9998315719e-01, -1.4262475385e-01,
    1.0944970499e-01, -8.3862066348e-02, 5.7709186551e-02, -3.0965612942e-02,
    1.0815613194e-02, -1.7742115459e-03,
)


def _atan(x):
    a = jnp.abs(x)
    inv = a > 1.0
    r = jnp.where(inv, 1.0 / jnp.maximum(a, 1e-30), a)
    z = r * r
    p = jnp.full_like(z, _ATAN_COEFFS[-1])
    for c in _ATAN_COEFFS[-2::-1]:
        p = p * z + c
    p = p * r
    res = jnp.where(inv, (math.pi / 2) - p, p)
    return jnp.where(x < 0, -res, res)


def _loss_kernel(pd_ref, ps_ref, anc_ref, gtb_ref, lab_ref, mgt_ref, out_ref,
                 al_s, ov_s, mp_s, aux_s, cm_s):
    b = pl.program_id(0)
    f32 = jnp.float32

    gx1 = gtb_ref[0, :, 0:1]
    gy1 = gtb_ref[0, :, 1:2]
    gx2 = gtb_ref[0, :, 2:3]
    gy2 = gtb_ref[0, :, 3:4]
    lab = lab_ref[0]
    mgt = mgt_ref[0]

    w2 = gx2 - gx1
    h2 = gy2 - gy1 + _CEPS
    at2 = _atan(w2 / (h2 + _CEPS))

    i16s = jax.lax.broadcasted_iota(jnp.int32, (_REG_MAX, _TA), 0).astype(f32)
    i32s = jax.lax.broadcasted_iota(jnp.int32, (_NMAX, _TA), 0).astype(f32)
    i80s = jax.lax.broadcasted_iota(jnp.int32, (_NC, _TA), 0).astype(f32)
    iota_nc = jax.lax.broadcasted_iota(jnp.int32, (_NMAX, _NC), 1).astype(f32)
    onehot_lab = (iota_nc == lab).astype(f32)
    lane = jax.lax.broadcasted_iota(jnp.int32, (1, 128), 1)

    @pl.when(b == 0)
    def _():
        out_ref[...] = jnp.zeros((1, 128), f32)

    cm_s[...] = jnp.zeros((_NMAX, 128), f32)

    def pass1(t, _):
        pd = pd_ref[0, t]
        ps = ps_ref[0, t]
        ax = anc_ref[t, 0:1, :]
        ay = anc_ref[t, 1:2, :]

        ltrb, logz = [], []
        for c in range(4):
            x = pd[c * _REG_MAX:(c + 1) * _REG_MAX, :]
            m = jnp.max(x, axis=0, keepdims=True)
            e = jnp.exp(x - m)
            s = jnp.sum(e, axis=0, keepdims=True)
            ltrb.append(jnp.sum(e * i16s, axis=0, keepdims=True) / s)
            logz.append(m + jnp.log(s))

        px1 = ax - ltrb[0]
        py1 = ay - ltrb[1]
        px2 = ax + ltrb[2]
        py2 = ay + ltrb[3]

        sig = 1.0 / (1.0 + jnp.exp(-ps))
        bsc = jnp.dot(onehot_lab, sig, preferred_element_type=f32)

        sp_sum = jnp.sum(jnp.maximum(ps, 0.0)
                         + jnp.log1p(jnp.exp(-jnp.abs(ps))))

        dmin = jnp.minimum(jnp.minimum(ax - gx1, ay - gy1),
                           jnp.minimum(gx2 - ax, gy2 - ay))
        mask = (dmin > _EPS).astype(f32) * mgt

        w1 = px2 - px1
        h1 = py2 - py1 + _CEPS
        at1 = _atan(w1 / (h1 + _CEPS))
        inter = (jnp.maximum(jnp.minimum(px2, gx2) - jnp.maximum(px1, gx1),
                             0.0)
                 * jnp.maximum(jnp.minimum(py2, gy2) - jnp.maximum(py1, gy1),
                               0.0))
        union = w1 * h1 + w2 * h2 - inter + _CEPS
        iou = inter / union
        cw = jnp.maximum(px2, gx2) - jnp.minimum(px1, gx1)
        ch = jnp.maximum(py2, gy2) - jnp.minimum(py1, gy1)
        c2 = cw * cw + ch * ch + _CEPS
        rho2 = ((gx1 + gx2 - px1 - px2) ** 2
                + (gy1 + gy2 - py1 - py2) ** 2) * 0.25
        dd = at2 - at1
        v = (4.0 / math.pi ** 2) * dd * dd
        alpha = v / (v - iou + (1.0 + _CEPS))
        ciou = iou - (rho2 / c2 + v * alpha)
        ov = jnp.clip(ciou, -1.0, 1.0) * mask

        ovr = jnp.maximum(ov, 0.0)
        ovr2 = ovr * ovr
        align = jnp.sqrt(bsc * mask) * (ovr2 * ovr2 * ovr2)

        al_s[t] = align
        ov_s[t] = ov
        aux_s[t, 0:1, :] = px1
        aux_s[t, 1:2, :] = py1
        aux_s[t, 2:3, :] = px2
        aux_s[t, 3:4, :] = py2
        aux_s[t, 4:5, :] = at1
        aux_s[t, 5:6, :] = logz[0]
        aux_s[t, 6:7, :] = logz[1]
        aux_s[t, 7:8, :] = logz[2]
        aux_s[t, 8:9, :] = logz[3]

        out_ref[...] += jnp.where(lane == 1, sp_sum, 0.0)
        return 0

    jax.lax.fori_loop(0, _NT, pass1, 0)

    work = al_s[...]
    for _ in range(_TOPK - 1):
        cur = jnp.max(work, axis=(0, 2))[None, :, None]
        work = jnp.where(work >= cur, -1.0, work)
    thr = jnp.max(work, axis=(0, 2))[:, None]

    def pass2(t, _):
        align = al_s[t]
        ov = ov_s[t]

        pos0 = jnp.logical_and(align >= thr, align > _EPS).astype(f32)
        fg0 = jnp.sum(pos0, axis=0, keepdims=True)
        multi = fg0 > 1.0

        mxo = jnp.max(ov, axis=0, keepdims=True)
        fidx = jnp.min(jnp.where(ov >= mxo, i32s, float(_NMAX)), axis=0,
                       keepdims=True)
        ismax = (i32s == fidx).astype(f32)
        mask_pos = jnp.where(multi, ismax, pos0)
        mp_s[t] = mask_pos

        am_col = jnp.max(align * mask_pos, axis=1, keepdims=True)
        ov_col = jnp.max(ov * mask_pos, axis=1, keepdims=True)
        cm_s[:, 0:1] = jnp.maximum(cm_s[:, 0:1], am_col)
        cm_s[:, 1:2] = jnp.maximum(cm_s[:, 1:2], ov_col)
        return 0

    jax.lax.fori_loop(0, _NT, pass2, 0)

    pos_align = cm_s[:, 0:1]
    pos_ov = cm_s[:, 1:2]
    ratio = pos_ov / (pos_align + _EPS)

    def pass3(t, _):
        align = al_s[t]
        mask_pos = mp_s[t]
        ps = ps_ref[0, t]
        pd = pd_ref[0, t]
        ax = anc_ref[t, 0:1, :]
        ay = anc_ref[t, 1:2, :]
        px1 = aux_s[t, 0:1, :]
        py1 = aux_s[t, 1:2, :]
        px2 = aux_s[t, 2:3, :]
        py2 = aux_s[t, 3:4, :]
        at1 = aux_s[t, 4:5, :]

        mxp = jnp.max(mask_pos, axis=0, keepdims=True)
        sidx = jnp.min(jnp.where(mask_pos >= mxp, i32s, float(_NMAX)),
                       axis=0, keepdims=True)
        sel = (i32s == sidx).astype(f32)
        fg = (mxp > 0.0).astype(f32)

        def _sel(col):
            return jnp.sum(sel * col, axis=0, keepdims=True)

        tx1, ty1, tx2, ty2 = _sel(gx1), _sel(gy1), _sel(gx2), _sel(gy2)
        tlab = _sel(lab)
        tat2 = _sel(at2)

        ampos = align * mask_pos
        norm = jnp.max(ampos * ratio, axis=0, keepdims=True)

        fgn = fg * norm
        weight = jnp.clip(fgn, 1e-6, None)
        ts_sum = jnp.sum(fgn)

        psel = jnp.sum(jnp.where(i80s == tlab, ps, 0.0), axis=0,
                       keepdims=True)
        neg_bce = jnp.sum(psel * fgn)

        w1 = px2 - px1
        h1 = py2 - py1 + _CEPS
        tw = tx2 - tx1
        th = ty2 - ty1 + _CEPS
        inter = (jnp.maximum(jnp.minimum(px2, tx2) - jnp.maximum(px1, tx1),
                             0.0)
                 * jnp.maximum(jnp.minimum(py2, ty2) - jnp.maximum(py1, ty1),
                               0.0))
        union = w1 * h1 + tw * th - inter + _CEPS
        iou = inter / union
        cw = jnp.maximum(px2, tx2) - jnp.minimum(px1, tx1)
        ch = jnp.maximum(py2, ty2) - jnp.minimum(py1, ty1)
        c2 = cw * cw + ch * ch + _CEPS
        rho2 = ((tx1 + tx2 - px1 - px2) ** 2
                + (ty1 + ty2 - py1 - py2) ** 2) * 0.25
        dd = tat2 - at1
        v = (4.0 / math.pi ** 2) * dd * dd
        alpha = v / (v - iou + (1.0 + _CEPS))
        ciou = iou - (rho2 / c2 + v * alpha)
        iou_t = jnp.clip(ciou, -1.0, 1.0)
        iou_sum = jnp.sum((1.0 - iou_t) * weight * fg)

        tltrb = [jnp.clip(tv, 0.0, _REG_MAX - 1.01)
                 for tv in (ax - tx1, ay - ty1, tx2 - ax, ty2 - ay)]
        acc = jnp.zeros((1, _TA), f32)
        for c in range(4):
            tv = tltrb[c]
            tlf = jnp.clip(jnp.floor(tv), 0.0, float(_REG_MAX - 2))
            trf = tlf + 1.0
            wl = jnp.clip(trf - tv, 0.0, 1.0)
            wr = jnp.clip(tv - tlf, 0.0, 1.0)
            lp = (pd[c * _REG_MAX:(c + 1) * _REG_MAX, :]
                  - aux_s[t, 5 + c:6 + c, :])
            left = -jnp.sum(jnp.where(i16s == tlf, lp, 0.0), axis=0,
                            keepdims=True)
            right = -jnp.sum(jnp.where(i16s == trf, lp, 0.0), axis=0,
                             keepdims=True)
            acc = acc + left * wl + right * wr
        dfl = jnp.clip(acc * 0.25, None, 100.0)
        dfl_sum = jnp.sum(dfl * weight * fg)

        out_ref[...] += (jnp.where(lane == 0, ts_sum, 0.0)
                         + jnp.where(lane == 1, -neg_bce, 0.0)
                         + jnp.where(lane == 2, iou_sum, 0.0)
                         + jnp.where(lane == 3, dfl_sum, 0.0))
        return 0

    jax.lax.fori_loop(0, _NT, pass3, 0)


def kernel(pred_distri, pred_scores, anchor_points, gt_labels, gt_bboxes,
           mask_gt):
    f32 = jnp.float32
    pd_t = pred_distri.reshape(_B, _NT, _TA, 4 * _REG_MAX).transpose(0, 1, 3, 2)
    ps_t = pred_scores.reshape(_B, _NT, _TA, _NC).transpose(0, 1, 3, 2)
    anc_t = anchor_points.reshape(_NT, _TA, 2).transpose(0, 2, 1)
    lab_f = gt_labels.astype(f32)

    out = pl.pallas_call(
        _loss_kernel,
        grid=(_B,),
        in_specs=[
            pl.BlockSpec((1, _NT, 4 * _REG_MAX, _TA), lambda b: (b, 0, 0, 0)),
            pl.BlockSpec((1, _NT, _NC, _TA), lambda b: (b, 0, 0, 0)),
            pl.BlockSpec((_NT, 2, _TA), lambda b: (0, 0, 0)),
            pl.BlockSpec((1, _NMAX, 4), lambda b: (b, 0, 0)),
            pl.BlockSpec((1, _NMAX, 1), lambda b: (b, 0, 0)),
            pl.BlockSpec((1, _NMAX, 1), lambda b: (b, 0, 0)),
        ],
        out_specs=pl.BlockSpec((1, 128), lambda b: (0, 0)),
        out_shape=jax.ShapeDtypeStruct((1, 128), f32),
        scratch_shapes=[
            pltpu.VMEM((_NT, _NMAX, _TA), f32),
            pltpu.VMEM((_NT, _NMAX, _TA), f32),
            pltpu.VMEM((_NT, _NMAX, _TA), f32),
            pltpu.VMEM((_NT, 16, _TA), f32),
            pltpu.VMEM((_NMAX, 128), f32),
        ],
    )(pd_t, ps_t, anc_t, gt_bboxes, lab_f, mask_gt)

    s = out[0]
    tss = jnp.maximum(s[0], 1.0)
    loss_iou = jnp.clip(s[2] / tss, None, 100.0)
    loss_cls = s[1] / tss
    loss_dfl = jnp.clip(s[3] / tss, None, 100.0)
    return jnp.stack([loss_iou, loss_cls, loss_dfl])

# --- scband reference (transcript-rebuilt; emitter-appended) ---
"""Pipeline reference for scband-v8-detection-loss-10230612099532 (READ-ONLY COPY).

The authoritative reference and input builder live on the scoring server;
editing this copy changes nothing except your own understanding.
"""

import math
import jax, jax.numpy as jnp
import numpy as np

B, A, NC, REG_MAX, NMAX, TOPK = 16, 8400, 80, 16, 32, 10
ALPHA, BETA, EPS = 0.5, 6.0, 1e-9


def _ciou(box1, box2, eps=1e-7):
    b1_x1, b1_y1, b1_x2, b1_y2 = jnp.split(box1, 4, -1)
    b2_x1, b2_y1, b2_x2, b2_y2 = jnp.split(box2, 4, -1)
    w1, h1 = b1_x2 - b1_x1, b1_y2 - b1_y1 + eps
    w2, h2 = b2_x2 - b2_x1, b2_y2 - b2_y1 + eps
    inter = jnp.clip(jnp.minimum(b1_x2, b2_x2) - jnp.maximum(b1_x1, b2_x1), 0, None) * jnp.clip(jnp.minimum(b1_y2, b2_y2) - jnp.maximum(b1_y1, b2_y1), 0, None)
    union = w1 * h1 + w2 * h2 - inter + eps
    iou = inter / union
    cw = jnp.maximum(b1_x2, b2_x2) - jnp.minimum(b1_x1, b2_x1)
    ch = jnp.maximum(b1_y2, b2_y2) - jnp.minimum(b1_y1, b2_y1)
    c2 = cw ** 2 + ch ** 2 + eps
    rho2 = ((b2_x1 + b2_x2 - b1_x1 - b1_x2) ** 2 + (b2_y1 + b2_y2 - b1_y1 - b1_y2) ** 2) / 4
    v = 4 / math.pi ** 2 * (jnp.arctan(w2 / (h2 + eps)) - jnp.arctan(w1 / (h1 + eps))) ** 2
    alpha = jax.lax.stop_gradient(v / (v - iou + (1 + eps)))
    return iou - (rho2 / c2 + v * alpha)


def _assigner(pd_scores, pd_bboxes, anc_points, gt_labels, gt_bboxes, mask_gt):
    # layout [B, A, NMAX]
    lt = gt_bboxes[:, None, :, :2]
    rb = gt_bboxes[:, None, :, 2:]
    anc = anc_points[None, :, None, :]
    deltas = jnp.concatenate([anc - lt, rb - anc], -1)
    mask_in_gts = (deltas.min(-1) > EPS).astype(pd_scores.dtype)
    mask_gt_exp = mask_gt[..., 0][:, None, :]
    mask = mask_in_gts * mask_gt_exp
    labels = gt_labels[..., 0]
    bbox_scores = jnp.take_along_axis(pd_scores, jnp.broadcast_to(labels[:, None, :], (B, A, NMAX)), axis=2) * mask
    overlaps = jnp.clip(_ciou(pd_bboxes[:, :, None, :], gt_bboxes[:, None, :, :])[..., 0], -1.0, 1.0) * mask
    align_metric = bbox_scores ** ALPHA * jnp.clip(overlaps, 0, None) ** BETA
    mt = jnp.transpose(align_metric, (0, 2, 1))  # [B, NMAX, A]
    vals, idxs = jax.lax.top_k(mt, TOPK)
    valid = (vals > EPS).astype(pd_scores.dtype)
    bi = jnp.arange(B)[:, None, None]
    ni = jnp.arange(NMAX)[None, :, None]
    mask_topk_t = jnp.zeros((B, NMAX, A), pd_scores.dtype).at[bi, ni, idxs].add(valid)
    mask_topk_t = jnp.clip(mask_topk_t, 0, 1)
    mask_pos = jnp.transpose(mask_topk_t, (0, 2, 1)) * mask_in_gts * mask_gt_exp
    fg = mask_pos.sum(-1)
    multi = fg > 1
    is_max = jax.nn.one_hot(jnp.argmax(overlaps, -1), NMAX, dtype=pd_scores.dtype)
    mask_pos = jnp.where(multi[..., None], is_max, mask_pos)
    fg_mask = (mask_pos.sum(-1) > 0).astype(pd_scores.dtype)
    target_gt_idx = jnp.argmax(mask_pos, -1)
    target_labels = jnp.take_along_axis(labels, target_gt_idx, axis=1)
    target_bboxes = jnp.take_along_axis(gt_bboxes, target_gt_idx[..., None], axis=1)
    target_scores = jax.nn.one_hot(target_labels, NC, dtype=pd_scores.dtype) * fg_mask[..., None]
    am = align_metric * mask_pos
    pos_align = am.max(axis=1, keepdims=True)
    pos_ov = (overlaps * mask_pos).max(axis=1, keepdims=True)
    norm = (am * pos_ov / (pos_align + EPS)).max(-1)
    target_scores = target_scores * norm[..., None]
    return target_bboxes, target_scores, fg_mask


def _forward(pred_distri, pred_scores, anchor_points, gt_labels, gt_bboxes, mask_gt):
    proj = jnp.arange(REG_MAX, dtype=jnp.float32)
    pd4 = pred_distri.reshape(B, A, 4, REG_MAX)
    pred_ltrb = (jax.nn.softmax(pd4, -1) * proj).sum(-1)
    anc = anchor_points[None]
    lt, rb = pred_ltrb[..., :2], pred_ltrb[..., 2:]
    pred_bboxes = jnp.concatenate([anc - lt, anc + rb], -1)
    pd_scores = jax.nn.sigmoid(pred_scores)
    tb, ts, fg = _assigner(pd_scores, pred_bboxes, anchor_points, gt_labels, gt_bboxes, mask_gt)
    tb = jax.lax.stop_gradient(tb)
    ts = jax.lax.stop_gradient(ts)
    fg = jax.lax.stop_gradient(fg)
    tss = jnp.maximum(ts.sum(), 1.0)
    # classification: BCE with logits, sum / tss
    x, t = pred_scores, ts
    bce = jnp.clip(x, 0, None) - x * t + jnp.log1p(jnp.exp(-jnp.abs(x)))
    loss_cls = bce.sum() / tss
    # CIoU box loss on foreground anchors
    weight = jnp.clip(ts.sum(-1), 1e-6, None)
    iou = jnp.clip(_ciou(pred_bboxes, tb)[..., 0], -1.0, 1.0)
    loss_iou = jnp.clip(((1.0 - iou) * weight * fg).sum() / tss, None, 100.0)
    # DFL
    tltrb = jnp.clip(jnp.concatenate([anc - tb[..., :2], tb[..., 2:] - anc], -1), 0, REG_MAX - 1.01)
    tl = jnp.clip(tltrb.astype(jnp.int32), 0, REG_MAX - 2)
    tr = jnp.clip(tl + 1, None, REG_MAX - 1)
    wl = jnp.clip(tr.astype(jnp.float32) - tltrb, 0, 1)
    wr = jnp.clip(tltrb - tl.astype(jnp.float32), 0, 1)
    logp = jax.nn.log_softmax(pd4, -1)
    left = -jnp.take_along_axis(logp, tl[..., None], -1)[..., 0]
    right = -jnp.take_along_axis(logp, tr[..., None], -1)[..., 0]
    dfl = jnp.clip((left * wl + right * wr).mean(-1), None, 100.0)
    loss_dfl = jnp.clip((dfl * weight * fg).sum() / tss, None, 100.0)
    return jnp.stack([loss_iou, loss_cls, loss_dfl])


def setup_inputs(seed: int = 0):
    key = jax.random.key(seed)
    k1, k2, k3, k4, k5 = jax.random.split(key, 5)
    return {
        "pred_distri": jax.random.normal(k1, (B, A, 4 * REG_MAX), jnp.float32),
        "pred_scores": jax.random.normal(k2, (B, A, NC), jnp.float32),
        "anchor_points": jax.random.uniform(k3, (A, 2), jnp.float32),
        "gt_labels": jax.random.randint(k4, (B, NMAX, 1), 0, NC),
        "gt_bboxes": jax.random.uniform(k5, (B, NMAX, 4), jnp.float32),
        "mask_gt": jnp.ones((B, NMAX, 1), jnp.float32),
    }


def reference(pred_distri, pred_scores, anchor_points, gt_labels, gt_bboxes, mask_gt):
    return _forward(pred_distri, pred_scores, anchor_points, gt_labels, gt_bboxes, mask_gt)

if __name__ == "__main__":
    import jax
    _d = setup_inputs()
    print(jax.jit(kernel)(*tuple(_d.values())))

</pallas_src>

<mosaic_0001>
module attributes {stable_mosaic.version = 14 : i64} {
  func.func @_loss_kernel(%arg0: i32, %arg1: memref<1x6x64x1400xf32, #tpu.memory_space<vmem>>, %arg2: memref<1x6x80x1400xf32, #tpu.memory_space<vmem>>, %arg3: memref<6x2x1400xf32, #tpu.memory_space<vmem>>, %arg4: memref<1x32x4xf32, #tpu.memory_space<vmem>>, %arg5: memref<1x32x1xf32, #tpu.memory_space<vmem>>, %arg6: memref<1x32x1xf32, #tpu.memory_space<vmem>>, %arg7: memref<1x128xf32, #tpu.memory_space<vmem>>, %arg8: memref<6x32x1400xf32, #tpu.memory_space<vmem>>, %arg9: memref<6x32x1400xf32, #tpu.memory_space<vmem>>, %arg10: memref<6x32x1400xf32, #tpu.memory_space<vmem>>, %arg11: memref<6x16x1400xf32, #tpu.memory_space<vmem>>, %arg12: memref<32x128xf32, #tpu.memory_space<vmem>>) attributes {dimension_semantics = [#tpu.dimension_semantics<arbitrary>], iteration_bounds = array<i64: 16>, scalar_prefetch = 0 : i64, scratch_operands = 5 : i64, tpu.core_type = #tpu.core_type<tc>, window_params = [{transform_indices = @transform_0, window_bounds = array<i64: 1, 6, 64, 1400>}, {transform_indices = @transform_1, window_bounds = array<i64: 1, 6, 80, 1400>}, {pipeline_mode = #tpu.pipeline_mode<synchronous>, transform_indices = @transform_2, window_bounds = array<i64: 6, 2, 1400>}, {transform_indices = @transform_3, window_bounds = array<i64: 1, 32, 4>}, {transform_indices = @transform_4, window_bounds = array<i64: 1, 32, 1>}, {transform_indices = @transform_5, window_bounds = array<i64: 1, 32, 1>}, {pipeline_mode = #tpu.pipeline_mode<synchronous>, transform_indices = @transform_6, window_bounds = array<i64: 1, 128>}]} {
    %get3A = arith.constant 0 : index
    %get3A_0 = arith.constant 0 : index
    %get3A_1 = arith.constant 0 : index
    %get3A_2 = vector.load %arg4[%get3A, %get3A_0, %get3A_1] : memref<1x32x4xf32, #tpu.memory_space<vmem>>, vector<1x32x1xf32>
    %get3A_3 = vector.shape_cast %get3A_2 : vector<1x32x1xf32> to vector<32x1xf32>
    %get3A_4 = arith.constant 0 : index
    %get3A_5 = arith.constant 0 : index
    %get3A_6 = arith.constant 1 : index
    %get3A_7 = vector.load %arg4[%get3A_4, %get3A_5, %get3A_6] : memref<1x32x4xf32, #tpu.memory_space<vmem>>, vector<1x32x1xf32>
    %get3A_8 = vector.shape_cast %get3A_7 : vector<1x32x1xf32> to vector<32x1xf32>
    %get3A_9 = arith.constant 0 : index
    %get3A_10 = arith.constant 0 : index
    %get3A_11 = arith.constant 2 : index
    %get3A_12 = vector.load %arg4[%get3A_9, %get3A_10, %get3A_11] : memref<1x32x4xf32, #tpu.memory_space<vmem>>, vector<1x32x1xf32>
    %get3A_13 = vector.shape_cast %get3A_12 : vector<1x32x1xf32> to vector<32x1xf32>
    %get3A_14 = arith.constant 0 : index
    %get3A_15 = arith.constant 0 : index
    %get3A_16 = arith.constant 3 : index
    %get3A_17 = vector.load %arg4[%get3A_14, %get3A_15, %get3A_16] : memref<1x32x4xf32, #tpu.memory_space<vmem>>, vector<1x32x1xf32>
    %get3A_18 = vector.shape_cast %get3A_17 : vector<1x32x1xf32> to vector<32x1xf32>
    %get3A_19 = arith.constant 0 : index
    %get3A_20 = arith.constant 0 : index
    %get3A_21 = arith.constant 0 : index
    %get3A_22 = vector.load %arg5[%get3A_19, %get3A_20, %get3A_21] : memref<1x32x1xf32, #tpu.memory_space<vmem>>, vector<1x32x1xf32>
    %get3A_23 = vector.shape_cast %get3A_22 : vector<1x32x1xf32> to vector<32x1xf32>
    %get3A_24 = arith.constant 0 : index
    %get3A_25 = arith.constant 0 : index
    %get3A_26 = arith.constant 0 : index
    %get3A_27 = vector.load %arg6[%get3A_24, %get3A_25, %get3A_26] : memref<1x32x1xf32, #tpu.memory_space<vmem>>, vector<1x32x1xf32>
    %get3A_28 = vector.shape_cast %get3A_27 : vector<1x32x1xf32> to vector<32x1xf32>
    %sub3A = arith.subf %get3A_13, %get3A_3 : vector<32x1xf32>
    %sub3A_29 = arith.subf %get3A_18, %get3A_8 : vector<32x1xf32>
    %add3A = arith.constant 1.000000e-07 : f32
    %add3A_30 = vector.broadcast %add3A : f32 to vector<32x1xf32>
    %add3A_31 = arith.addf %sub3A_29, %add3A_30 : vector<32x1xf32>
    %add3A_32 = arith.constant 1.000000e-07 : f32
    %add3A_33 = vector.broadcast %add3A_32 : f32 to vector<32x1xf32>
    %add3A_34 = arith.addf %add3A_31, %add3A_33 : vector<32x1xf32>
    %div3A = arith.divf %sub3A, %add3A_34 : vector<32x1xf32>
    %abs3A = math.absf %div3A : vector<32x1xf32>
    %gt3A = arith.constant 1.000000e+00 : f32
    %gt3A_35 = vector.broadcast %gt3A : f32 to vector<32x1xf32>
    %gt3A_36 = arith.cmpf ogt, %abs3A, %gt3A_35 : vector<32x1xf32>
    %max3A = arith.constant 1.000000e-30 : f32
    %max3A_37 = vector.broadcast %max3A : f32 to vector<32x1xf32>
    %max3A_38 = arith.maximumf %abs3A, %max3A_37 : vector<32x1xf32>
    %div3A_39 = arith.constant 1.000000e+00 : f32
    %div3A_40 = vector.broadcast %div3A_39 : f32 to vector<32x1xf32>
    %div3A_41 = arith.divf %div3A_40, %max3A_38 : vector<32x1xf32>
    %select_n3A = arith.select %gt3A_36, %div3A_41, %abs3A : vector<32x1xi1>, vector<32x1xf32>
    %mul3A = arith.mulf %select_n3A, %select_n3A : vector<32x1xf32>
    %broadcast_in_dim3A = arith.constant -0.00177421153 : f32
    %broadcast_in_dim3A_42 = vector.broadcast %broadcast_in_dim3A : f32 to vector<32x1xf32>
    %mul3A_43 = arith.mulf %broadcast_in_dim3A_42, %mul3A : vector<32x1xf32>
    %add3A_44 = arith.constant 0.010815613 : f32
    %add3A_45 = vector.broadcast %add3A_44 : f32 to vector<32x1xf32>
    %add3A_46 = arith.addf %mul3A_43, %add3A_45 : vector<32x1xf32>
    %mul3A_47 = arith.mulf %add3A_46, %mul3A : vector<32x1xf32>
    %add3A_48 = arith.constant -0.0309656132 : f32
    %add3A_49 = vector.broadcast %add3A_48 : f32 to vector<32x1xf32>
    %add3A_50 = arith.addf %mul3A_47, %add3A_49 : vector<32x1xf32>
    %mul3A_51 = arith.mulf %add3A_50, %mul3A : vector<32x1xf32>
    %add3A_52 = arith.constant 0.0577091873 : f32
    %add3A_53 = vector.broadcast %add3A_52 : f32 to vector<32x1xf32>
    %add3A_54 = arith.addf %mul3A_51, %add3A_53 : vector<32x1xf32>
    %mul3A_55 = arith.mulf %add3A_54, %mul3A : vector<32x1xf32>
    %add3A_56 = arith.constant -0.0838620662 : f32
    %add3A_57 = vector.broadcast %add3A_56 : f32 to vector<32x1xf32>
    %add3A_58 = arith.addf %mul3A_55, %add3A_57 : vector<32x1xf32>
    %mul3A_59 = arith.mulf %add3A_58, %mul3A : vector<32x1xf32>
    %add3A_60 = arith.constant 0.109449707 : f32
    %add3A_61 = vector.broadcast %add3A_60 : f32 to vector<32x1xf32>
    %add3A_62 = arith.addf %mul3A_59, %add3A_61 : vector<32x1xf32>
    %mul3A_63 = arith.mulf %add3A_62, %mul3A : vector<32x1xf32>
    %add3A_64 = arith.constant -0.142624751 : f32
    %add3A_65 = vector.broadcast %add3A_64 : f32 to vector<32x1xf32>
    %add3A_66 = arith.addf %mul3A_63, %add3A_65 : vector<32x1xf32>
    %mul3A_67 = arith.mulf %add3A_66, %mul3A : vector<32x1xf32>
    %add3A_68 = arith.constant 0.19998315 : f32
    %add3A_69 = vector.broadcast %add3A_68 : f32 to vector<32x1xf32>
    %add3A_70 = arith.addf %mul3A_67, %add3A_69 : vector<32x1xf32>
    %mul3A_71 = arith.mulf %add3A_70, %mul3A : vector<32x1xf32>
    %add3A_72 = arith.constant -0.333332866 : f32
    %add3A_73 = vector.broadcast %add3A_72 : f32 to vector<32x1xf32>
    %add3A_74 = arith.addf %mul3A_71, %add3A_73 : vector<32x1xf32>
    %mul3A_75 = arith.mulf %add3A_74, %mul3A : vector<32x1xf32>
    %add3A_76 = arith.constant 1.000000e+00 : f32
    %add3A_77 = vector.broadcast %add3A_76 : f32 to vector<32x1xf32>
    %add3A_78 = arith.addf %mul3A_75, %add3A_77 : vector<32x1xf32>
    %mul3A_79 = arith.mulf %add3A_78, %select_n3A : vector<32x1xf32>
    %sub3A_80 = arith.constant 1.57079637 : f32
    %sub3A_81 = vector.broadcast %sub3A_80 : f32 to vector<32x1xf32>
    %sub3A_82 = arith.subf %sub3A_81, %mul3A_79 : vector<32x1xf32>
    %select_n3A_83 = arith.select %gt3A_36, %sub3A_82, %mul3A_79 : vector<32x1xi1>, vector<32x1xf32>
    %lt3A = arith.constant 0.000000e+00 : f32
    %lt3A_84 = vector.broadcast %lt3A : f32 to vector<32x1xf32>
    %lt3A_85 = arith.cmpf olt, %div3A, %lt3A_84 : vector<32x1xf32>
    %neg3A = arith.constant 0.000000e+00 : f32
    %neg3A_86 = vector.broadcast %neg3A : f32 to vector<32x1xf32>
    %neg3A_87 = arith.subf %neg3A_86, %select_n3A_83 : vector<32x1xf32>
    %select_n3A_88 = arith.select %lt3A_85, %neg3A_87, %select_n3A_83 : vector<32x1xi1>, vector<32x1xf32>
    %iota3A = tpu.iota {dimensions = array<i32: 0>} : vector<16x1400xi32>
    %convert_element_type3A = arith.sitofp %iota3A : vector<16x1400xi32> to vector<16x1400xf32>
    %iota3A_89 = tpu.iota {dimensions = array<i32: 0>} : vector<32x1400xi32>
    %convert_element_type3A_90 = arith.sitofp %iota3A_89 : vector<32x1400xi32> to vector<32x1400xf32>
    %iota3A_91 = tpu.iota {dimensions = array<i32: 0>} : vector<80x1400xi32>
    %convert_element_type3A_92 = arith.sitofp %iota3A_91 : vector<80x1400xi32> to vector<80x1400xf32>
    %iota3A_93 = tpu.iota {dimensions = array<i32: 1>} : vector<32x80xi32>
    %convert_element_type3A_94 = arith.sitofp %iota3A_93 : vector<32x80xi32> to vector<32x80xf32>
    %eq3A = vector.broadcast %get3A_23 : vector<32x1xf32> to vector<32x80xf32>
    %eq3A_95 = arith.cmpf oeq, %convert_element_type3A_94, %eq3A : vector<32x80xf32>
    %convert_element_type3A_96 = arith.extui %eq3A_95 : vector<32x80xi1> to vector<32x80xi32>
    %convert_element_type3A_97 = arith.sitofp %convert_element_type3A_96 : vector<32x80xi32> to vector<32x80xf32>
    %iota3A_98 = tpu.iota {dimensions = array<i32: 1>} : vector<1x128xi32>
    %eq3A_99 = arith.constant 0 : i32
    %eq3A_100 = arith.cmpi eq, %arg0, %eq3A_99 : i32
    %convert_element_type3A_101 = arith.extui %eq3A_100 : i1 to i32
    %cond3A = arith.constant 0 : i32
    %cond3A_102 = arith.cmpi ne, %convert_element_type3A_101, %cond3A : i32
    scf.if %cond3A_102 {
      %broadcast_in_dim3A_207 = arith.constant 0.000000e+00 : f32
      %broadcast_in_dim3A_208 = vector.broadcast %broadcast_in_dim3A_207 : f32 to vector<1x128xf32>
      %swap3A_209 = arith.constant 0 : index
      %swap3A_210 = arith.constant 0 : index
      %swap3A_211 = vector.load %arg7[%swap3A_209, %swap3A_210] : memref<1x128xf32, #tpu.memory_space<vmem>>, vector<1x128xf32>
      tpu.vector_store %arg7[%swap3A_209, %swap3A_210], %broadcast_in_dim3A_208 {strides = array<i32>} : memref<1x128xf32, #tpu.memory_space<vmem>>, vector<1x128xf32>,
    } else {
    }
    %broadcast_in_dim3A_103 = arith.constant 0.000000e+00 : f32
    %broadcast_in_dim3A_104 = vector.broadcast %broadcast_in_dim3A_103 : f32 to vector<32x128xf32>
    %swap3A = arith.constant 0 : index
    %swap3A_105 = arith.constant 0 : index
    %swap3A_106 = vector.load %arg12[%swap3A, %swap3A_105] : memref<32x128xf32, #tpu.memory_space<vmem>>, vector<32x128xf32>
    tpu.vector_store %arg12[%swap3A, %swap3A_105], %broadcast_in_dim3A_104 {strides = array<i32>} : memref<32x128xf32, #tpu.memory_space<vmem>>, vector<32x128xf32>,
    %scan3A = arith.constant 0 : i32
    %scan3A_107 = arith.constant 6 : i32
    %scan3A_108 = arith.addi %scan3A, %scan3A_107 : i32
    %scan3A_109 = arith.constant 1 : i32
    scf.for %scan3A_207 = %scan3A to %scan3A_108 step %scan3A_109  : i32 {
      %get3A_208 = arith.constant 0 : index
      %get3A_209 = arith.index_cast %scan3A_207 : i32 to index
      %get3A_210 = arith.constant 0 : index
      %get3A_211 = arith.constant 0 : index
      %get3A_212 = vector.load %arg1[%get3A_208, %get3A_209, %get3A_210, %get3A_211] : memref<1x6x64x1400xf32, #tpu.memory_space<vmem>>, vector<1x1x64x1400xf32>
      %get3A_213 = vector.shape_cast %get3A_212 : vector<1x1x64x1400xf32> to vector<64x1400xf32>
      %get3A_214 = arith.constant 0 : index
      %get3A_215 = arith.index_cast %scan3A_207 : i32 to index
      %get3A_216 = arith.constant 0 : index
      %get3A_217 = arith.constant 0 : index
      %get3A_218 = vector.load %arg2[%get3A_214, %get3A_215, %get3A_216, %get3A_217] : memref<1x6x80x1400xf32, #tpu.memory_space<vmem>>, vector<1x1x80x1400xf32>
      %get3A_219 = vector.shape_cast %get3A_218 : vector<1x1x80x1400xf32> to vector<80x1400xf32>
      %get3A_220 = arith.index_cast %scan3A_207 : i32 to index
      %get3A_221 = arith.constant 0 : index
      %get3A_222 = arith.constant 0 : index
      %get3A_223 = vector.load %arg3[%get3A_220, %get3A_221, %get3A_222] : memref<6x2x1400xf32, #tpu.memory_space<vmem>>, vector<1x1x1400xf32>
      %get3A_224 = vector.shape_cast %get3A_223 : vector<1x1x1400xf32> to vector<1x1400xf32>
      %get3A_225 = arith.index_cast %scan3A_207 : i32 to index
      %get3A_226 = arith.constant 1 : index
      %get3A_227 = arith.constant 0 : index
      %get3A_228 = vector.load %arg3[%get3A_225, %get3A_226, %get3A_227] : memref<6x2x1400xf32, #tpu.memory_space<vmem>>, vector<1x1x1400xf32>
      %get3A_229 = vector.shape_cast %get3A_228 : vector<1x1x1400xf32> to vector<1x1400xf32>
      %slice3A = vector.extract_strided_slice %get3A_213 {offsets = [0, 0], sizes = [16, 1400], strides = [1, 1]} : vector<64x1400xf32> to vector<16x1400xf32>
      %reduce_max3A_230 = arith.constant dense<0xFF800000> : vector<1400xf32>
      %reduce_max3A_231 = vector.multi_reduction <maximumf>, %slice3A, %reduce_max3A_230 [0] : vector<16x1400xf32> to vector<1400xf32>
      %broadcast_in_dim3A_232 = vector.shape_cast %reduce_max3A_231 : vector<1400xf32> to vector<1x1400xf32>
      %sub3A_233 = vector.broadcast %broadcast_in_dim3A_232 : vector<1x1400xf32> to vector<16x1400xf32>
      %sub3A_234 = arith.subf %slice3A, %sub3A_233 : vector<16x1400xf32>
      %exp3A = math.exp %sub3A_234 : vector<16x1400xf32>
      %reduce_sum3A = arith.constant dense<0.000000e+00> : vector<1400xf32>
      %reduce_sum3A_235 = vector.multi_reduction <add>, %exp3A, %reduce_sum3A [0] : vector<16x1400xf32> to vector<1400xf32>
      %broadcast_in_dim3A_236 = vector.shape_cast %reduce_sum3A_235 : vector<1400xf32> to vector<1x1400xf32>
      %mul3A_237 = arith.mulf %exp3A, %convert_element_type3A : vector<16x1400xf32>
      %reduce_sum3A_238 = arith.constant dense<0.000000e+00> : vector<1400xf32>
      %reduce_sum3A_239 = vector.multi_reduction <add>, %mul3A_237, %reduce_sum3A_238 [0] : vector<16x1400xf32> to vector<1400xf32>
      %broadcast_in_dim3A_240 = vector.shape_cast %reduce_sum3A_239 : vector<1400xf32> to vector<1x1400xf32>
      %div3A_241 = arith.divf %broadcast_in_dim3A_240, %broadcast_in_dim3A_236 : vector<1x1400xf32>
      %log3A = math.log %broadcast_in_dim3A_236 : vector<1x1400xf32>
      %add3A_242 = arith.addf %broadcast_in_dim3A_232, %log3A : vector<1x1400xf32>
      %slice3A_243 = vector.extract_strided_slice %get3A_213 {offsets = [16, 0], sizes = [16, 1400], strides = [1, 1]} : vector<64x1400xf32> to vector<16x1400xf32>
      %reduce_max3A_244 = arith.constant dense<0xFF800000> : vector<1400xf32>
      %reduce_max3A_245 = vector.multi_reduction <maximumf>, %slice3A_243, %reduce_max3A_244 [0] : vector<16x1400xf32> to vector<1400xf32>
      %broadcast_in_dim3A_246 = vector.shape_cast %reduce_max3A_245 : vector<1400xf32> to vector<1x1400xf32>
      %sub3A_247 = vector.broadcast %broadcast_in_dim3A_246 : vector<1x1400xf32> to vector<16x1400xf32>
      %sub3A_248 = arith.subf %slice3A_243, %sub3A_247 : vector<16x1400xf32>
      %exp3A_249 = math.exp %sub3A_248 : vector<16x1400xf32>
      %reduce_sum3A_250 = arith.constant dense<0.000000e+00> : vector<1400xf32>
      %reduce_sum3A_251 = vector.multi_reduction <add>, %exp3A_249, %reduce_sum3A_250 [0] : vector<16x1400xf32> to vector<1400xf32>
      %broadcast_in_dim3A_252 = vector.shape_cast %reduce_sum3A_251 : vector<1400xf32> to vector<1x1400xf32>
      %mul3A_253 = arith.mulf %exp3A_249, %convert_element_type3A : vector<16x1400xf32>
      %reduce_sum3A_254 = arith.constant dense<0.000000e+00> : vector<1400xf32>
      %reduce_sum3A_255 = vector.multi_reduction <add>, %mul3A_253, %reduce_sum3A_254 [0] : vector<16x1400xf32> to vector<1400xf32>
      %broadcast_in_dim3A_256 = vector.shape_cast %reduce_sum3A_255 : vector<1400xf32> to vector<1x1400xf32>
      %div3A_257 = arith.divf %broadcast_in_dim3A_256, %broadcast_in_dim3A_252 : vector<1x1400xf32>
      %log3A_258 = math.log %broadcast_in_dim3A_252 : vector<1x1400xf32>
      %add3A_259 = arith.addf %broadcast_in_dim3A_246, %log3A_258 : vector<1x1400xf32>
      %slice3A_260 = vector.extract_strided_slice %get3A_213 {offsets = [32, 0], sizes = [16, 1400], strides = [1, 1]} : vector<64x1400xf32> to vector<16x1400xf32>
      %reduce_max3A_261 = arith.constant dense<0xFF800000> : vector<1400xf32>
      %reduce_max3A_262 = vector.multi_reduction <maximumf>, %slice3A_260, %reduce_max3A_261 [0] : vector<16x1400xf32> to vector<1400xf32>
      %broadcast_in_dim3A_263 = vector.shape_cast %reduce_max3A_262 : vector<1400xf32> to vector<1x1400xf32>
      %sub3A_264 = vector.broadcast %broadcast_in_dim3A_263 : vector<1x1400xf32> to vector<16x1400xf32>
      %sub3A_265 = arith.subf %slice3A_260, %sub3A_264 : vector<16x1400xf32>
      %exp3A_266 = math.exp %sub3A_265 : vector<16x1400xf32>
      %reduce_sum3A_267 = arith.constant dense<0.000000e+00> : vector<1400xf32>
      %reduce_sum3A_268 = vector.multi_reduction <add>, %exp3A_266, %reduce_sum3A_267 [0] : vector<16x1400xf32> to vector<1400xf32>
      %broadcast_in_dim3A_269 = vector.shape_cast %reduce_sum3A_268 : vector<1400xf32> to vector<1x1400xf32>
      %mul3A_270 = arith.mulf %exp3A_266, %convert_element_type3A : vector<16x1400xf32>
      %reduce_sum3A_271 = arith.constant dense<0.000000e+00> : vector<1400xf32>
      %reduce_sum3A_272 = vector.multi_reduction <add>, %mul3A_270, %reduce_sum3A_271 [0] : vector<16x1400xf32> to vector<1400xf32>
      %broadcast_in_dim3A_273 = vector.shape_cast %reduce_sum3A_272 : vector<1400xf32> to vector<1x1400xf32>
      %div3A_274 = arith.divf %broadcast_in_dim3A_273, %broadcast_in_dim3A_269 : vector<1x1400xf32>
      %log3A_275 = math.log %broadcast_in_dim3A_269 : vector<1x1400xf32>
      %add3A_276 = arith.addf %broadcast_in_dim3A_263, %log3A_275 : vector<1x1400xf32>
      %slice3A_277 = vector.extract_strided_slice %get3A_213 {offsets = [48, 0], sizes = [16, 1400], strides = [1, 1]} : vector<64x1400xf32> to vector<16x1400xf32>
      %reduce_max3A_278 = arith.constant dense<0xFF800000> : vector<1400xf32>
      %reduce_max3A_279 = vector.multi_reduction <maximumf>, %slice3A_277, %reduce_max3A_278 [0] : vector<16x1400xf32> to vector<1400xf32>
      %broadcast_in_dim3A_280 = vector.shape_cast %reduce_max3A_279 : vector<1400xf32> to vector<1x1400xf32>
      %sub3A_281 = vector.broadcast %broadcast_in_dim3A_280 : vector<1x1400xf32> to vector<16x1400xf32>
      %sub3A_282 = arith.subf %slice3A_277, %sub3A_281 : vector<16x1400xf32>
      %exp3A_283 = math.exp %sub3A_282 : vector<16x1400xf32>
      %reduce_sum3A_284 = arith.constant dense<0.000000e+00> : vector<1400xf32>
      %reduce_sum3A_285 = vector.multi_reduction <add>, %exp3A_283, %reduce_sum3A_284 [0] : vector<16x1400xf32> to vector<1400xf32>
      %broadcast_in_dim3A_286 = vector.shape_cast %reduce_sum3A_285 : vector<1400xf32> to vector<1x1400xf32>
      %mul3A_287 = arith.mulf %exp3A_283, %convert_element_type3A : vector<16x1400xf32>
      %reduce_sum3A_288 = arith.constant dense<0.000000e+00> : vector<1400xf32>
      %reduce_sum3A_289 = vector.multi_reduction <add>, %mul3A_287, %reduce_sum3A_288 [0] : vector<16x1400xf32> to vector<1400xf32>
      %broadcast_in_dim3A_290 = vector.shape_cast %reduce_sum3A_289 : vector<1400xf32> to vector<1x1400xf32>
      %div3A_291 = arith.divf %broadcast_in_dim3A_290, %broadcast_in_dim3A_286 : vector<1x1400xf32>
      %log3A_292 = math.log %broadcast_in_dim3A_286 : vector<1x1400xf32>
      %add3A_293 = arith.addf %broadcast_in_dim3A_280, %log3A_292 : vector<1x1400xf32>
      %sub3A_294 = arith.subf %get3A_224, %div3A_241 : vector<1x1400xf32>
      %sub3A_295 = arith.subf %get3A_229, %div3A_257 : vector<1x1400xf32>
      %add3A_296 = arith.addf %get3A_224, %div3A_274 : vector<1x1400xf32>
      %add3A_297 = arith.addf %get3A_229, %div3A_291 : vector<1x1400xf32>
      %neg3A_298 = arith.constant 0.000000e+00 : f32
      %neg3A_299 = vector.broadcast %neg3A_298 : f32 to vector<80x1400xf32>
      %neg3A_300 = arith.subf %neg3A_299, %get3A_219 : vector<80x1400xf32>
      %exp3A_301 = math.exp %neg3A_300 : vector<80x1400xf32>
      %add3A_302 = arith.constant 1.000000e+00 : f32
      %add3A_303 = vector.broadcast %add3A_302 : f32 to vector<80x1400xf32>
      %add3A_304 = arith.addf %add3A_303, %exp3A_301 : vector<80x1400xf32>
      %div3A_305 = arith.constant 1.000000e+00 : f32
      %div3A_306 = vector.broadcast %div3A_305 : f32 to vector<80x1400xf32>
      %div3A_307 = arith.divf %div3A_306, %add3A_304 : vector<80x1400xf32>
      %dot_general3A = arith.constant dense<0.000000e+00> : vector<32x1400xf32>
      %dot_general3A_308 = tpu.matmul %convert_element_type3A_97, %div3A_307, %dot_general3A {dimension_numbers = #tpu.dot_dimension_numbers<[1], [0], [0], [1], [0, 0, 1, 1], [], []>, transpose_lhs_hint = false} : vector<32x80xf32>, vector<80x1400xf32>, vector<32x1400xf32> -> vector<32x1400xf32>
      %max3A_309 = arith.constant 0.000000e+00 : f32
      %max3A_310 = vector.broadcast %max3A_309 : f32 to vector<80x1400xf32>
      %max3A_311 = arith.maximumf %get3A_219, %max3A_310 : vector<80x1400xf32>
      %abs3A_312 = math.absf %get3A_219 : vector<80x1400xf32>
      %neg3A_313 = arith.constant 0.000000e+00 : f32
      %neg3A_314 = vector.broadcast %neg3A_313 : f32 to vector<80x1400xf32>
      %neg3A_315 = arith.subf %neg3A_314, %abs3A_312 : vector<80x1400xf32>
      %exp3A_316 = math.exp %neg3A_315 : vector<80x1400xf32>
      %log1p3A = math.log1p %exp3A_316 : vector<80x1400xf32>
      %add3A_317 = arith.addf %max3A_311, %log1p3A : vector<80x1400xf32>
      %reduce_sum3A_318 = vector.shape_cast %add3A_317 : vector<80x1400xf32> to vector<1x80x1400xf32>
      %reduce_sum3A_319 = arith.constant dense<0.000000e+00> : vector<1xf32>
      %reduce_sum3A_320 = vector.multi_reduction <add>, %reduce_sum3A_318, %reduce_sum3A_319 [1, 2] : vector<1x80x1400xf32> to vector<1xf32>
      %reduce_sum3A_321 = vector.shape_cast %reduce_sum3A_320 : vector<1xf32> to vector<1x1x1xf32>
      %reduce_sum3A_322 = vector.extract %reduce_sum3A_321[0, 0, 0] : f32 from vector<1x1x1xf32>
      %sub3A_323 = vector.broadcast %get3A_224 : vector<1x1400xf32> to vector<32x1400xf32>
      %sub3A_324 = vector.broadcast %get3A_3 : vector<32x1xf32> to vector<32x1400xf32>
      %sub3A_325 = arith.subf %sub3A_323, %sub3A_324 : vector<32x1400xf32>
      %sub3A_326 = vector.broadcast %get3A_229 : vector<1x1400xf32> to vector<32x1400xf32>
      %sub3A_327 = vector.broadcast %get3A_8 : vector<32x1xf32> to vector<32x1400xf32>
      %sub3A_328 = arith.subf %sub3A_326, %sub3A_327 : vector<32x1400xf32>
      %min3A = arith.minimumf %sub3A_325, %sub3A_328 : vector<32x1400xf32>
      %sub3A_329 = vector.broadcast %get3A_13 : vector<32x1xf32> to vector<32x1400xf32>
      %sub3A_330 = vector.broadcast %get3A_224 : vector<1x1400xf32> to vector<32x1400xf32>
      %sub3A_331 = arith.subf %sub3A_329, %sub3A_330 : vector<32x1400xf32>
      %sub3A_332 = vector.broadcast %get3A_18 : vector<32x1xf32> to vector<32x1400xf32>
      %sub3A_333 = vector.broadcast %get3A_229 : vector<1x1400xf32> to vector<32x1400xf32>
      %sub3A_334 = arith.subf %sub3A_332, %sub3A_333 : vector<32x1400xf32>
      %min3A_335 = arith.minimumf %sub3A_331, %sub3A_334 : vector<32x1400xf32>
      %min3A_336 = arith.minimumf %min3A, %min3A_335 : vector<32x1400xf32>
      %gt3A_337 = arith.constant 9.99999971E-10 : f32
      %gt3A_338 = vector.broadcast %gt3A_337 : f32 to vector<32x1400xf32>
      %gt3A_339 = arith.cmpf ogt, %min3A_336, %gt3A_338 : vector<32x1400xf32>
      %convert_element_type3A_340 = arith.extui %gt3A_339 : vector<32x1400xi1> to vector<32x1400xi32>
      %convert_element_type3A_341 = arith.sitofp %convert_element_type3A_340 : vector<32x1400xi32> to vector<32x1400xf32>
      %mul3A_342 = vector.broadcast %get3A_28 : vector<32x1xf32> to vector<32x1400xf32>
      %mul3A_343 = arith.mulf %convert_element_type3A_341, %mul3A_342 : vector<32x1400xf32>
      %sub3A_344 = arith.subf %add3A_296, %sub3A_294 : vector<1x1400xf32>
      %sub3A_345 = arith.subf %add3A_297, %sub3A_295 : vector<1x1400xf32>
      %add3A_346 = arith.constant 1.000000e-07 : f32
      %add3A_347 = vector.broadcast %add3A_346 : f32 to vector<1x1400xf32>
      %add3A_348 = arith.addf %sub3A_345, %add3A_347 : vector<1x1400xf32>
      %add3A_349 = arith.constant 1.000000e-07 : f32
      %add3A_350 = vector.broadcast %add3A_349 : f32 to vector<1x1400xf32>
      %add3A_351 = arith.addf %add3A_348, %add3A_350 : vector<1x1400xf32>
      %div3A_352 = arith.divf %sub3A_344, %add3A_351 : vector<1x1400xf32>
      %abs3A_353 = math.absf %div3A_352 : vector<1x1400xf32>
      %gt3A_354 = arith.constant 1.000000e+00 : f32
      %gt3A_355 = vector.broadcast %gt3A_354 : f32 to vector<1x1400xf32>
      %gt3A_356 = arith.cmpf ogt, %abs3A_353, %gt3A_355 : vector<1x1400xf32>
      %max3A_357 = arith.constant 1.000000e-30 : f32
      %max3A_358 = vector.broadcast %max3A_357 : f32 to vector<1x1400xf32>
      %max3A_359 = arith.maximumf %abs3A_353, %max3A_358 : vector<1x1400xf32>
      %div3A_360 = arith.constant 1.000000e+00 : f32
      %div3A_361 = vector.broadcast %div3A_360 : f32 to vector<1x1400xf32>
      %div3A_362 = arith.divf %div3A_361, %max3A_359 : vector<1x1400xf32>
      %select_n3A_363 = arith.select %gt3A_356, %div3A_362, %abs3A_353 : vector<1x1400xi1>, vector<1x1400xf32>
      %mul3A_364 = arith.mulf %select_n3A_363, %select_n3A_363 : vector<1x1400xf32>
      %broadcast_in_dim3A_365 = arith.constant -0.00177421153 : f32
      %broadcast_in_dim3A_366 = vector.broadcast %broadcast_in_dim3A_365 : f32 to vector<1x1400xf32>
      %mul3A_367 = arith.mulf %broadcast_in_dim3A_366, %mul3A_364 : vector<1x1400xf32>
      %add3A_368 = arith.constant 0.010815613 : f32
      %add3A_369 = vector.broadcast %add3A_368 : f32 to vector<1x1400xf32>
      %add3A_370 = arith.addf %mul3A_367, %add3A_369 : vector<1x1400xf32>
      %mul3A_371 = arith.mulf %add3A_370, %mul3A_364 : vector<1x1400xf32>
      %add3A_372 = arith.constant -0.0309656132 : f32
      %add3A_373 = vector.broadcast %add3A_372 : f32 to vector<1x1400xf32>
      %add3A_374 = arith.addf %mul3A_371, %add3A_373 : vector<1x1400xf32>
      %mul3A_375 = arith.mulf %add3A_374, %mul3A_364 : vector<1x1400xf32>
      %add3A_376 = arith.constant 0.0577091873 : f32
      %add3A_377 = vector.broadcast %add3A_376 : f32 to vector<1x1400xf32>
      %add3A_378 = arith.addf %mul3A_375, %add3A_377 : vector<1x1400xf32>
      %mul3A_379 = arith.mulf %add3A_378, %mul3A_364 : vector<1x1400xf32>
      %add3A_380 = arith.constant -0.0838620662 : f32
      %add3A_381 = vector.broadcast %add3A_380 : f32 to vector<1x1400xf32>
      %add3A_382 = arith.addf %mul3A_379, %add3A_381 : vector<1x1400xf32>
      %mul3A_383 = arith.mulf %add3A_382, %mul3A_364 : vector<1x1400xf32>
      %add3A_384 = arith.constant 0.109449707 : f32
      %add3A_385 = vector.broadcast %add3A_384 : f32 to vector<1x1400xf32>
      %add3A_386 = arith.addf %mul3A_383, %add3A_385 : vector<1x1400xf32>
      %mul3A_387 = arith.mulf %add3A_386, %mul3A_364 : vector<1x1400xf32>
      %add3A_388 = arith.constant -0.142624751 : f32
      %add3A_389 = vector.broadcast %add3A_388 : f32 to vector<1x1400xf32>
      %add3A_390 = arith.addf %mul3A_387, %add3A_389 : vector<1x1400xf32>
      %mul3A_391 = arith.mulf %add3A_390, %mul3A_364 : vector<1x1400xf32>
      %add3A_392 = arith.constant 0.19998315 : f32
      %add3A_393 = vector.broadcast %add3A_392 : f32 to vector<1x1400xf32>
      %add3A_394 = arith.addf %mul3A_391, %add3A_393 : vector<1x1400xf32>
      %mul3A_395 = arith.mulf %add3A_394, %mul3A_364 : vector<1x1400xf32>
      %add3A_396 = arith.constant -0.333332866 : f32
      %add3A_397 = vector.broadcast %add3A_396 : f32 to vector<1x1400xf32>
      %add3A_398 = arith.addf %mul3A_395, %add3A_397 : vector<1x1400xf32>
      %mul3A_399 = arith.mulf %add3A_398, %mul3A_364 : vector<1x1400xf32>
      %add3A_400 = arith.constant 1.000000e+00 : f32
      %add3A_401 = vector.broadcast %add3A_400 : f32 to vector<1x1400xf32>
      %add3A_402 = arith.addf %mul3A_399, %add3A_401 : vector<1x1400xf32>
      %mul3A_403 = arith.mulf %add3A_402, %select_n3A_363 : vector<1x1400xf32>
      %sub3A_404 = arith.constant 1.57079637 : f32
      %sub3A_405 = vector.broadcast %sub3A_404 : f32 to vector<1x1400xf32>
      %sub3A_406 = arith.subf %sub3A_405, %mul3A_403 : vector<1x1400xf32>
      %select_n3A_407 = arith.select %gt3A_356, %sub3A_406, %mul3A_403 : vector<1x1400xi1>, vector<1x1400xf32>
      %lt3A_408 = arith.constant 0.000000e+00 : f32
      %lt3A_409 = vector.broadcast %lt3A_408 : f32 to vector<1x1400xf32>
      %lt3A_410 = arith.cmpf olt, %div3A_352, %lt3A_409 : vector<1x1400xf32>
      %neg3A_411 = arith.constant 0.000000e+00 : f32
      %neg3A_412 = vector.broadcast %neg3A_411 : f32 to vector<1x1400xf32>
      %neg3A_413 = arith.subf %neg3A_412, %select_n3A_407 : vector<1x1400xf32>
      %select_n3A_414 = arith.select %lt3A_410, %neg3A_413, %select_n3A_407 : vector<1x1400xi1>, vector<1x1400xf32>
      %min3A_415 = vector.broadcast %add3A_296 : vector<1x1400xf32> to vector<32x1400xf32>
      %min3A_416 = vector.broadcast %get3A_13 : vector<32x1xf32> to vector<32x1400xf32>
      %min3A_417 = arith.minimumf %min3A_415, %min3A_416 : vector<32x1400xf32>
      %max3A_418 = vector.broadcast %sub3A_294 : vector<1x1400xf32> to vector<32x1400xf32>
      %max3A_419 = vector.broadcast %get3A_3 : vector<32x1xf32> to vector<32x1400xf32>
      %max3A_420 = arith.maximumf %max3A_418, %max3A_419 : vector<32x1400xf32>
      %sub3A_421 = arith.subf %min3A_417, %max3A_420 : vector<32x1400xf32>
      %max3A_422 = arith.constant 0.000000e+00 : f32
      %max3A_423 = vector.broadcast %max3A_422 : f32 to vector<32x1400xf32>
      %max3A_424 = arith.maximumf %sub3A_421, %max3A_423 : vector<32x1400xf32>
      %min3A_425 = vector.broadcast %add3A_297 : vector<1x1400xf32> to vector<32x1400xf32>
      %min3A_426 = vector.broadcast %get3A_18 : vector<32x1xf32> to vector<32x1400xf32>
      %min3A_427 = arith.minimumf %min3A_425, %min3A_426 : vector<32x1400xf32>
      %max3A_428 = vector.broadcast %sub3A_295 : vector<1x1400xf32> to vector<32x1400xf32>
      %max3A_429 = vector.broadcast %get3A_8 : vector<32x1xf32> to vector<32x1400xf32>
      %max3A_430 = arith.maximumf %max3A_428, %max3A_429 : vector<32x1400xf32>
      %sub3A_431 = arith.subf %min3A_427, %max3A_430 : vector<32x1400xf32>
      %max3A_432 = arith.constant 0.000000e+00 : f32
      %max3A_433 = vector.broadcast %max3A_432 : f32 to vector<32x1400xf32>
      %max3A_434 = arith.maximumf %sub3A_431, %max3A_433 : vector<32x1400xf32>
      %mul3A_435 = arith.mulf %max3A_424, %max3A_434 : vector<32x1400xf32>
      %mul3A_436 = arith.mulf %sub3A_344, %add3A_348 : vector<1x1400xf32>
      %mul3A_437 = arith.mulf %sub3A, %add3A_31 : vector<32x1xf32>
      %add3A_438 = vector.broadcast %mul3A_436 : vector<1x1400xf32> to vector<32x1400xf32>
      %add3A_439 = vector.broadcast %mul3A_437 : vector<32x1xf32> to vector<32x1400xf32>
      %add3A_440 = arith.addf %add3A_438, %add3A_439 : vector<32x1400xf32>
      %sub3A_441 = arith.subf %add3A_440, %mul3A_435 : vector<32x1400xf32>
      %add3A_442 = arith.constant 1.000000e-07 : f32
      %add3A_443 = vector.broadcast %add3A_442 : f32 to vector<32x1400xf32>
      %add3A_444 = arith.addf %sub3A_441, %add3A_443 : vector<32x1400xf32>
      %div3A_445 = arith.divf %mul3A_435, %add3A_444 : vector<32x1400xf32>
      %max3A_446 = vector.broadcast %add3A_296 : vector<1x1400xf32> to vector<32x1400xf32>
      %max3A_447 = vector.broadcast %get3A_13 : vector<32x1xf32> to vector<32x1400xf32>
      %max3A_448 = arith.maximumf %max3A_446, %max3A_447 : vector<32x1400xf32>
      %min3A_449 = vector.broadcast %sub3A_294 : vector<1x1400xf32> to vector<32x1400xf32>
      %min3A_450 = vector.broadcast %get3A_3 : vector<32x1xf32> to vector<32x1400xf32>
      %min3A_451 = arith.minimumf %min3A_449, %min3A_450 : vector<32x1400xf32>
      %sub3A_452 = arith.subf %max3A_448, %min3A_451 : vector<32x1400xf32>
      %max3A_453 = vector.broadcast %add3A_297 : vector<1x1400xf32> to vector<32x1400xf32>
      %max3A_454 = vector.broadcast %get3A_18 : vector<32x1xf32> to vector<32x1400xf32>
      %max3A_455 = arith.maximumf %max3A_453, %max3A_454 : vector<32x1400xf32>
      %min3A_456 = vector.broadcast %sub3A_295 : vector<1x1400xf32> to vector<32x1400xf32>
      %min3A_457 = vector.broadcast %get3A_8 : vector<32x1xf32> to vector<32x1400xf32>
      %min3A_458 = arith.minimumf %min3A_456, %min3A_457 : vector<32x1400xf32>
      %sub3A_459 = arith.subf %max3A_455, %min3A_458 : vector<32x1400xf32>
      %mul3A_460 = arith.mulf %sub3A_452, %sub3A_452 : vector<32x1400xf32>
      %mul3A_461 = arith.mulf %sub3A_459, %sub3A_459 : vector<32x1400xf32>
      %add3A_462 = arith.addf %mul3A_460, %mul3A_461 : vector<32x1400xf32>
      %add3A_463 = arith.constant 1.000000e-07 : f32
      %add3A_464 = vector.broadcast %add3A_463 : f32 to vector<32x1400xf32>
      %add3A_465 = arith.addf %add3A_462, %add3A_464 : vector<32x1400xf32>
      %add3A_466 = arith.addf %get3A_3, %get3A_13 : vector<32x1xf32>
      %sub3A_467 = vector.broadcast %add3A_466 : vector<32x1xf32> to vector<32x1400xf32>
      %sub3A_468 = vector.broadcast %sub3A_294 : vector<1x1400xf32> to vector<32x1400xf32>
      %sub3A_469 = arith.subf %sub3A_467, %sub3A_468 : vector<32x1400xf32>
      %sub3A_470 = vector.broadcast %add3A_296 : vector<1x1400xf32> to vector<32x1400xf32>
      %sub3A_471 = arith.subf %sub3A_469, %sub3A_470 : vector<32x1400xf32>
      %integer_pow3A = arith.mulf %sub3A_471, %sub3A_471 : vector<32x1400xf32>
      %add3A_472 = arith.addf %get3A_8, %get3A_18 : vector<32x1xf32>
      %sub3A_473 = vector.broadcast %add3A_472 : vector<32x1xf32> to vector<32x1400xf32>
      %sub3A_474 = vector.broadcast %sub3A_295 : vector<1x1400xf32> to vector<32x1400xf32>
      %sub3A_475 = arith.subf %sub3A_473, %sub3A_474 : vector<32x1400xf32>
      %sub3A_476 = vector.broadcast %add3A_297 : vector<1x1400xf32> to vector<32x1400xf32>
      %sub3A_477 = arith.subf %sub3A_475, %sub3A_476 : vector<32x1400xf32>
      %integer_pow3A_478 = arith.mulf %sub3A_477, %sub3A_477 : vector<32x1400xf32>
      %add3A_479 = arith.addf %integer_pow3A, %integer_pow3A_478 : vector<32x1400xf32>
      %mul3A_480 = arith.constant 2.500000e-01 : f32
      %mul3A_481 = vector.broadcast %mul3A_480 : f32 to vector<32x1400xf32>
      %mul3A_482 = arith.mulf %add3A_479, %mul3A_481 : vector<32x1400xf32>
      %sub3A_483 = vector.broadcast %select_n3A_88 : vector<32x1xf32> to vector<32x1400xf32>
      %sub3A_484 = vector.broadcast %select_n3A_414 : vector<1x1400xf32> to vector<32x1400xf32>
      %sub3A_485 = arith.subf %sub3A_483, %sub3A_484 : vector<32x1400xf32>
      %mul3A_486 = arith.constant 0.405284733 : f32
      %mul3A_487 = vector.broadcast %mul3A_486 : f32 to vector<32x1400xf32>
      %mul3A_488 = arith.mulf %mul3A_487, %sub3A_485 : vector<32x1400xf32>
      %mul3A_489 = arith.mulf %mul3A_488, %sub3A_485 : vector<32x1400xf32>
      %sub3A_490 = arith.subf %mul3A_489, %div3A_445 : vector<32x1400xf32>
      %add3A_491 = arith.constant 1.00000012 : f32
      %add3A_492 = vector.broadcast %add3A_491 : f32 to vector<32x1400xf32>
      %add3A_493 = arith.addf %sub3A_490, %add3A_492 : vector<32x1400xf32>
      %div3A_494 = arith.divf %mul3A_489, %add3A_493 : vector<32x1400xf32>
      %div3A_495 = arith.divf %mul3A_482, %add3A_465 : vector<32x1400xf32>
      %mul3A_496 = arith.mulf %mul3A_489, %div3A_494 : vector<32x1400xf32>
      %add3A_497 = arith.addf %div3A_495, %mul3A_496 : vector<32x1400xf32>
      %sub3A_498 = arith.subf %div3A_445, %add3A_497 : vector<32x1400xf32>
      %jit3A_499 = arith.constant -1.000000e+00 : f32
      %jit3A_500 = arith.constant 1.000000e+00 : f32
      %max3A_501 = vector.broadcast %jit3A_499 : f32 to vector<32x1400xf32>
      %max3A_502 = arith.maximumf %max3A_501, %sub3A_498 : vector<32x1400xf32>
      %min3A_503 = vector.broadcast %jit3A_500 : f32 to vector<32x1400xf32>
      %min3A_504 = arith.minimumf %min3A_503, %max3A_502 : vector<32x1400xf32>
      %mul3A_505 = arith.mulf %min3A_504, %mul3A_343 : vector<32x1400xf32>
      %max3A_506 = arith.constant 0.000000e+00 : f32
      %max3A_507 = vector.broadcast %max3A_506 : f32 to vector<32x1400xf32>
      %max3A_508 = arith.maximumf %mul3A_505, %max3A_507 : vector<32x1400xf32>
      %mul3A_509 = arith.mulf %max3A_508, %max3A_508 : vector<32x1400xf32>
      %mul3A_510 = arith.mulf %dot_general3A_308, %mul3A_343 : vector<32x1400xf32>
      %sqrt3A = math.sqrt %mul3A_510 : vector<32x1400xf32>
      %mul3A_511 = arith.mulf %mul3A_509, %mul3A_509 : vector<32x1400xf32>
      %mul3A_512 = arith.mulf %mul3A_511, %mul3A_509 : vector<32x1400xf32>
      %mul3A_513 = arith.mulf %sqrt3A, %mul3A_512 : vector<32x1400xf32>
      %swap3A_514 = arith.index_cast %scan3A_207 : i32 to index
      %swap3A_515 = arith.constant 0 : index
      %swap3A_516 = arith.constant 0 : index
      %swap3A_517 = vector.load %arg8[%swap3A_514, %swap3A_515, %swap3A_516] : memref<6x32x1400xf32, #tpu.memory_space<vmem>>, vector<1x32x1400xf32>
      %swap3A_518 = vector.shape_cast %swap3A_517 : vector<1x32x1400xf32> to vector<32x1400xf32>
      %swap3A_519 = vector.shape_cast %mul3A_513 : vector<32x1400xf32> to vector<1x32x1400xf32>
      tpu.vector_store %arg8[%swap3A_514, %swap3A_515, %swap3A_516], %swap3A_519 {strides = array<i32>} : memref<6x32x1400xf32, #tpu.memory_space<vmem>>, vector<1x32x1400xf32>,
      %swap3A_520 = arith.index_cast %scan3A_207 : i32 to index
      %swap3A_521 = arith.constant 0 : index
      %swap3A_522 = arith.constant 0 : index
      %swap3A_523 = vector.load %arg9[%swap3A_520, %swap3A_521, %swap3A_522] : memref<6x32x1400xf32, #tpu.memory_space<vmem>>, vector<1x32x1400xf32>
      %swap3A_524 = vector.shape_cast %swap3A_523 : vector<1x32x1400xf32> to vector<32x1400xf32>
      %swap3A_525 = vector.shape_cast %mul3A_505 : vector<32x1400xf32> to vector<1x32x1400xf32>
      tpu.vector_store %arg9[%swap3A_520, %swap3A_521, %swap3A_522], %swap3A_525 {strides = array<i32>} : memref<6x32x1400xf32, #tpu.memory_space<vmem>>, vector<1x32x1400xf32>,
      %swap3A_526 = arith.index_cast %scan3A_207 : i32 to index
      %swap3A_527 = arith.constant 0 : index
      %swap3A_528 = arith.constant 0 : index
      %swap3A_529 = vector.load %arg11[%swap3A_526, %swap3A_527, %swap3A_528] : memref<6x16x1400xf32, #tpu.memory_space<vmem>>, vector<1x1x1400xf32>
      %swap3A_530 = vector.shape_cast %swap3A_529 : vector<1x1x1400xf32> to vector<1x1400xf32>
      %swap3A_531 = vector.shape_cast %sub3A_294 : vector<1x1400xf32> to vector<1x1x1400xf32>
      tpu.vector_store %arg11[%swap3A_526, %swap3A_527, %swap3A_528], %swap3A_531 {strides = array<i32>} : memref<6x16x1400xf32, #tpu.memory_space<vmem>>, vector<1x1x1400xf32>,
      %swap3A_532 = arith.index_cast %scan3A_207 : i32 to index
      %swap3A_533 = arith.constant 1 : index
      %swap3A_534 = arith.constant 0 : index
      %swap3A_535 = vector.load %arg11[%swap3A_532, %swap3A_533, %swap3A_534] : memref<6x16x1400xf32, #tpu.memory_space<vmem>>, vector<1x1x1400xf32>
      %swap3A_536 = vector.shape_cast %swap3A_535 : vector<1x1x1400xf32> to vector<1x1400xf32>
      %swap3A_537 = vector.shape_cast %sub3A_295 : vector<1x1400xf32> to vector<1x1x1400xf32>
      tpu.vector_store %arg11[%swap3A_532, %swap3A_533, %swap3A_534], %swap3A_537 {strides = array<i32>} : memref<6x16x1400xf32, #tpu.memory_space<vmem>>, vector<1x1x1400xf32>,
      %swap3A_538 = arith.index_cast %scan3A_207 : i32 to index
      %swap3A_539 = arith.constant 2 : index
      %swap3A_540 = arith.constant 0 : index
      %swap3A_541 = vector.load %arg11[%swap3A_538, %swap3A_539, %swap3A_540] : memref<6x16x1400xf32, #tpu.memory_space<vmem>>, vector<1x1x1400xf32>
      %swap3A_542 = vector.shape_cast %swap3A_541 : vector<1x1x1400xf32> to vector<1x1400xf32>
      %swap3A_543 = vector.shape_cast %add3A_296 : vector<1x1400xf32> to vector<1x1x1400xf32>
      tpu.vector_store %arg11[%swap3A_538, %swap3A_539, %swap3A_540], %swap3A_543 {strides = array<i32>} : memref<6x16x1400xf32, #tpu.memory_space<vmem>>, vector<1x1x1400xf32>,
      %swap3A_544 = arith.index_cast %scan3A_207 : i32 to index
      %swap3A_545 = arith.constant 3 : index
      %swap3A_546 = arith.constant 0 : index
      %swap3A_547 = vector.load %arg11[%swap3A_544, %swap3A_545, %swap3A_546] : memref<6x16x1400xf32, #tpu.memory_space<vmem>>, vector<1x1x1400xf32>
      %swap3A_548 = vector.shape_cast %swap3A_547 : vector<1x1x1400xf32> to vector<1x1400xf32>
      %swap3A_549 = vector.shape_cast %add3A_297 : vector<1x1400xf32> to vector<1x1x1400xf32>
      tpu.vector_store %arg11[%swap3A_544, %swap3A_545, %swap3A_546], %swap3A_549 {strides = array<i32>} : memref<6x16x1400xf32, #tpu.memory_space<vmem>>, vector<1x1x1400xf32>,
      %swap3A_550 = arith.index_cast %scan3A_207 : i32 to index
      %swap3A_551 = arith.constant 4 : index
      %swap3A_552 = arith.constant 0 : index
      %swap3A_553 = vector.load %arg11[%swap3A_550, %swap3A_551, %swap3A_552] : memref<6x16x1400xf32, #tpu.memory_space<vmem>>, vector<1x1x1400xf32>
      %swap3A_554 = vector.shape_cast %swap3A_553 : vector<1x1x1400xf32> to vector<1x1400xf32>
      %swap3A_555 = vector.shape_cast %select_n3A_414 : vector<1x1400xf32> to vector<1x1x1400xf32>
      tpu.vector_store %arg11[%swap3A_550, %swap3A_551, %swap3A_552], %swap3A_555 {strides = array<i32>} : memref<6x16x1400xf32, #tpu.memory_space<vmem>>, vector<1x1x1400xf32>,
      %swap3A_556 = arith.index_cast %scan3A_207 : i32 to index
      %swap3A_557 = arith.constant 5 : index
      %swap3A_558 = arith.constant 0 : index
      %swap3A_559 = vector.load %arg11[%swap3A_556, %swap3A_557, %swap3A_558] : memref<6x16x1400xf32, #tpu.memory_space<vmem>>, vector<1x1x1400xf32>
      %swap3A_560 = vector.shape_cast %swap3A_559 : vector<1x1x1400xf32> to vector<1x1400xf32>
      %swap3A_561 = vector.shape_cast %add3A_242 : vector<1x1400xf32> to vector<1x1x1400xf32>
      tpu.vector_store %arg11[%swap3A_556, %swap3A_557, %swap3A_558], %swap3A_561 {strides = array<i32>} : memref<6x16x1400xf32, #tpu.memory_space<vmem>>, vector<1x1x1400xf32>,
      %swap3A_562 = arith.index_cast %scan3A_207 : i32 to index
      %swap3A_563 = arith.constant 6 : index
      %swap3A_564 = arith.constant 0 : index
      %swap3A_565 = vector.load %arg11[%swap3A_562, %swap3A_563, %swap3A_564] : memref<6x16x1400xf32, #tpu.memory_space<vmem>>, vector<1x1x1400xf32>
      %swap3A_566 = vector.shape_cast %swap3A_565 : vector<1x1x1400xf32> to vector<1x1400xf32>
      %swap3A_567 = vector.shape_cast %add3A_259 : vector<1x1400xf32> to vector<1x1x1400xf32>
      tpu.vector_store %arg11[%swap3A_562, %swap3A_563, %swap3A_564], %swap3A_567 {strides = array<i32>} : memref<6x16x1400xf32, #tpu.memory_space<vmem>>, vector<1x1x1400xf32>,
      %swap3A_568 = arith.index_cast %scan3A_207 : i32 to index
      %swap3A_569 = arith.constant 7 : index
      %swap3A_570 = arith.constant 0 : index
      %swap3A_571 = vector.load %arg11[%swap3A_568, %swap3A_569, %swap3A_570] : memref<6x16x1400xf32, #tpu.memory_space<vmem>>, vector<1x1x1400xf32>
      %swap3A_572 = vector.shape_cast %swap3A_571 : vector<1x1x1400xf32> to vector<1x1400xf32>
      %swap3A_573 = vector.shape_cast %add3A_276 : vector<1x1400xf32> to vector<1x1x1400xf32>
      tpu.vector_store %arg11[%swap3A_568, %swap3A_569, %swap3A_570], %swap3A_573 {strides = array<i32>} : memref<6x16x1400xf32, #tpu.memory_space<vmem>>, vector<1x1x1400xf32>,
      %swap3A_574 = arith.index_cast %scan3A_207 : i32 to index
      %swap3A_575 = arith.constant 8 : index
      %swap3A_576 = arith.constant 0 : index
      %swap3A_577 = vector.load %arg11[%swap3A_574, %swap3A_575, %swap3A_576] : memref<6x16x1400xf32, #tpu.memory_space<vmem>>, vector<1x1x1400xf32>
      %swap3A_578 = vector.shape_cast %swap3A_577 : vector<1x1x1400xf32> to vector<1x1400xf32>
      %swap3A_579 = vector.shape_cast %add3A_293 : vector<1x1400xf32> to vector<1x1x1400xf32>
      tpu.vector_store %arg11[%swap3A_574, %swap3A_575, %swap3A_576], %swap3A_579 {strides = array<i32>} : memref<6x16x1400xf32, #tpu.memory_space<vmem>>, vector<1x1x1400xf32>,
      %get3A_580 = arith.constant 0 : index
      %get3A_581 = arith.constant 0 : index
      %get3A_582 = vector.load %arg7[%get3A_580, %get3A_581] : memref<1x128xf32, #tpu.memory_space<vmem>>, vector<1x128xf32>
      %eq3A_583 = arith.constant 1 : i32
      %eq3A_584 = vector.broadcast %eq3A_583 : i32 to vector<1x128xi32>
      %eq3A_585 = arith.cmpi eq, %iota3A_98, %eq3A_584 : vector<1x128xi32>
      %jit3A_586 = arith.constant 0.000000e+00 : f32
      %broadcast_in_dim3A_587 = vector.broadcast %reduce_sum3A_322 : f32 to vector<1x128xf32>
      %broadcast_in_dim3A_588 = vector.broadcast %jit3A_586 : f32 to vector<1x128xf32>
      %select_n3A_589 = arith.select %eq3A_585, %broadcast_in_dim3A_587, %broadcast_in_dim3A_588 : vector<1x128xi1>, vector<1x128xf32>
      %add3A_590 = arith.addf %get3A_582, %select_n3A_589 : vector<1x128xf32>
      %swap3A_591 = arith.constant 0 : index
      %swap3A_592 = arith.constant 0 : index
      %swap3A_593 = vector.load %arg7[%swap3A_591, %swap3A_592] : memref<1x128xf32, #tpu.memory_space<vmem>>, vector<1x128xf32>
      tpu.vector_store %arg7[%swap3A_591, %swap3A_592], %add3A_590 {strides = array<i32>} : memref<1x128xf32, #tpu.memory_space<vmem>>, vector<1x128xf32>,
    }
    %scan3A_110 = arith.constant 6 : i32
    %get3A_111 = arith.constant 0 : index
    %get3A_112 = arith.constant 0 : index
    %get3A_113 = arith.constant 0 : index
    %get3A_114 = vector.load %arg8[%get3A_111, %get3A_112, %get3A_113] : memref<6x32x1400xf32, #tpu.memory_space<vmem>>, vector<6x32x1400xf32>
    %reduce_max3A = arith.constant dense<0xFF800000> : vector<32xf32>
    %reduce_max3A_115 = vector.multi_reduction <maximumf>, %get3A_114, %reduce_max3A [0, 2] : vector<6x32x1400xf32> to vector<32xf32>
    %broadcast_in_dim3A_116 = vector.shape_cast %reduce_max3A_115 : vector<32xf32> to vector<1x32x1xf32>
    %ge3A = vector.broadcast %broadcast_in_dim3A_116 : vector<1x32x1xf32> to vector<6x32x1400xf32>
    %ge3A_117 = arith.cmpf oge, %get3A_114, %ge3A : vector<6x32x1400xf32>
    %jit3A = arith.constant -1.000000e+00 : f32
    %broadcast_in_dim3A_118 = vector.broadcast %jit3A : f32 to vector<6x32x1400xf32>
    %select_n3A_119 = arith.select %ge3A_117, %broadcast_in_dim3A_118, %get3A_114 : vector<6x32x1400xi1>, vector<6x32x1400xf32>
    %reduce_max3A_120 = arith.constant dense<0xFF800000> : vector<32xf32>
    %reduce_max3A_121 = vector.multi_reduction <maximumf>, %select_n3A_119, %reduce_max3A_120 [0, 2] : vector<6x32x1400xf32> to vector<32xf32>
    %broadcast_in_dim3A_122 = vector.shape_cast %reduce_max3A_121 : vector<32xf32> to vector<1x32x1xf32>
    %ge3A_123 = vector.broadcast %broadcast_in_dim3A_122 : vector<1x32x1xf32> to vector<6x32x1400xf32>
    %ge3A_124 = arith.cmpf oge, %select_n3A_119, %ge3A_123 : vector<6x32x1400xf32>
    %jit3A_125 = arith.constant -1.000000e+00 : f32
    %broadcast_in_dim3A_126 = vector.broadcast %jit3A_125 : f32 to vector<6x32x1400xf32>
    %select_n3A_127 = arith.select %ge3A_124, %broadcast_in_dim3A_126, %select_n3A_119 : vector<6x32x1400xi1>, vector<6x32x1400xf32>
    %reduce_max3A_128 = arith.constant dense<0xFF800000> : vector<32xf32>
    %reduce_max3A_129 = vector.multi_reduction <maximumf>, %select_n3A_127, %reduce_max3A_128 [0, 2] : vector<6x32x1400xf32> to vector<32xf32>
    %broadcast_in_dim3A_130 = vector.shape_cast %reduce_max3A_129 : vector<32xf32> to vector<1x32x1xf32>
    %ge3A_131 = vector.broadcast %broadcast_in_dim3A_130 : vector<1x32x1xf32> to vector<6x32x1400xf32>
    %ge3A_132 = arith.cmpf oge, %select_n3A_127, %ge3A_131 : vector<6x32x1400xf32>
    %jit3A_133 = arith.constant -1.000000e+00 : f32
    %broadcast_in_dim3A_134 = vector.broadcast %jit3A_133 : f32 to vector<6x32x1400xf32>
    %select_n3A_135 = arith.select %ge3A_132, %broadcast_in_dim3A_134, %select_n3A_127 : vector<6x32x1400xi1>, vector<6x32x1400xf32>
    %reduce_max3A_136 = arith.constant dense<0xFF800000> : vector<32xf32>
    %reduce_max3A_137 = vector.multi_reduction <maximumf>, %select_n3A_135, %reduce_max3A_136 [0, 2] : vector<6x32x1400xf32> to vector<32xf32>
    %broadcast_in_dim3A_138 = vector.shape_cast %reduce_max3A_137 : vector<32xf32> to vector<1x32x1xf32>
    %ge3A_139 = vector.broadcast %broadcast_in_dim3A_138 : vector<1x32x1xf32> to vector<6x32x1400xf32>
    %ge3A_140 = arith.cmpf oge, %select_n3A_135, %ge3A_139 : vector<6x32x1400xf32>
    %jit3A_141 = arith.constant -1.000000e+00 : f32
    %broadcast_in_dim3A_142 = vector.broadcast %jit3A_141 : f32 to vector<6x32x1400xf32>
    %select_n3A_143 = arith.select %ge3A_140, %broadcast_in_dim3A_142, %select_n3A_135 : vector<6x32x1400xi1>, vector<6x32x1400xf32>
    %reduce_max3A_144 = arith.constant dense<0xFF800000> : vector<32xf32>
    %reduce_max3A_145 = vector.multi_reduction <maximumf>, %select_n3A_143, %reduce_max3A_144 [0, 2] : vector<6x32x1400xf32> to vector<32xf32>
    %broadcast_in_dim3A_146 = vector.shape_cast %reduce_max3A_145 : vector<32xf32> to vector<1x32x1xf32>
    %ge3A_147 = vector.broadcast %broadcast_in_dim3A_146 : vector<1x32x1xf32> to vector<6x32x1400xf32>
    %ge3A_148 = arith.cmpf oge, %select_n3A_143, %ge3A_147 : vector<6x32x1400xf32>
    %jit3A_149 = arith.constant -1.000000e+00 : f32
    %broadcast_in_dim3A_150 = vector.broadcast %jit3A_149 : f32 to vector<6x32x1400xf32>
    %select_n3A_151 = arith.select %ge3A_148, %broadcast_in_dim3A_150, %select_n3A_143 : vector<6x32x1400xi1>, vector<6x32x1400xf32>
    %reduce_max3A_152 = arith.constant dense<0xFF800000> : vector<32xf32>
    %reduce_max3A_153 = vector.multi_reduction <maximumf>, %select_n3A_151, %reduce_max3A_152 [0, 2] : vector<6x32x1400xf32> to vector<32xf32>
    %broadcast_in_dim3A_154 = vector.shape_cast %reduce_max3A_153 : vector<32xf32> to vector<1x32x1xf32>
    %ge3A_155 = vector.broadcast %broadcast_in_dim3A_154 : vector<1x32x1xf32> to vector<6x32x1400xf32>
    %ge3A_156 = arith.cmpf oge, %select_n3A_151, %ge3A_155 : vector<6x32x1400xf32>
    %jit3A_157 = arith.constant -1.000000e+00 : f32
    %broadcast_in_dim3A_158 = vector.broadcast %jit3A_157 : f32 to vector<6x32x1400xf32>
    %select_n3A_159 = arith.select %ge3A_156, %broadcast_in_dim3A_158, %select_n3A_151 : vector<6x32x1400xi1>, vector<6x32x1400xf32>
    %reduce_max3A_160 = arith.constant dense<0xFF800000> : vector<32xf32>
    %reduce_max3A_161 = vector.multi_reduction <maximumf>, %select_n3A_159, %reduce_max3A_160 [0, 2] : vector<6x32x1400xf32> to vector<32xf32>
    %broadcast_in_dim3A_162 = vector.shape_cast %reduce_max3A_161 : vector<32xf32> to vector<1x32x1xf32>
    %ge3A_163 = vector.broadcast %broadcast_in_dim3A_162 : vector<1x32x1xf32> to vector<6x32x1400xf32>
    %ge3A_164 = arith.cmpf oge, %select_n3A_159, %ge3A_163 : vector<6x32x1400xf32>
    %jit3A_165 = arith.constant -1.000000e+00 : f32
    %broadcast_in_dim3A_166 = vector.broadcast %jit3A_165 : f32 to vector<6x32x1400xf32>
    %select_n3A_167 = arith.select %ge3A_164, %broadcast_in_dim3A_166, %select_n3A_159 : vector<6x32x1400xi1>, vector<6x32x1400xf32>
    %reduce_max3A_168 = arith.constant dense<0xFF800000> : vector<32xf32>
    %reduce_max3A_169 = vector.multi_reduction <maximumf>, %select_n3A_167, %reduce_max3A_168 [0, 2] : vector<6x32x1400xf32> to vector<32xf32>
    %broadcast_in_dim3A_170 = vector.shape_cast %reduce_max3A_169 : vector<32xf32> to vector<1x32x1xf32>
    %ge3A_171 = vector.broadcast %broadcast_in_dim3A_170 : vector<1x32x1xf32> to vector<6x32x1400xf32>
    %ge3A_172 = arith.cmpf oge, %select_n3A_167, %ge3A_171 : vector<6x32x1400xf32>
    %jit3A_173 = arith.constant -1.000000e+00 : f32
    %broadcast_in_dim3A_174 = vector.broadcast %jit3A_173 : f32 to vector<6x32x1400xf32>
    %select_n3A_175 = arith.select %ge3A_172, %broadcast_in_dim3A_174, %select_n3A_167 : vector<6x32x1400xi1>, vector<6x32x1400xf32>
    %reduce_max3A_176 = arith.constant dense<0xFF800000> : vector<32xf32>
    %reduce_max3A_177 = vector.multi_reduction <maximumf>, %select_n3A_175, %reduce_max3A_176 [0, 2] : vector<6x32x1400xf32> to vector<32xf32>
    %broadcast_in_dim3A_178 = vector.shape_cast %reduce_max3A_177 : vector<32xf32> to vector<1x32x1xf32>
    %ge3A_179 = vector.broadcast %broadcast_in_dim3A_178 : vector<1x32x1xf32> to vector<6x32x1400xf32>
    %ge3A_180 = arith.cmpf oge, %select_n3A_175, %ge3A_179 : vector<6x32x1400xf32>
    %jit3A_181 = arith.constant -1.000000e+00 : f32
    %broadcast_in_dim3A_182 = vector.broadcast %jit3A_181 : f32 to vector<6x32x1400xf32>
    %select_n3A_183 = arith.select %ge3A_180, %broadcast_in_dim3A_182, %select_n3A_175 : vector<6x32x1400xi1>, vector<6x32x1400xf32>
    %reduce_max3A_184 = arith.constant dense<0xFF800000> : vector<32xf32>
    %reduce_max3A_185 = vector.multi_reduction <maximumf>, %select_n3A_183, %reduce_max3A_184 [0, 2] : vector<6x32x1400xf32> to vector<32xf32>
    %broadcast_in_dim3A_186 = vector.shape_cast %reduce_max3A_185 : vector<32xf32> to vector<32x1xf32>
    %scan3A_187 = arith.constant 0 : i32
    %scan3A_188 = arith.constant 6 : i32
    %scan3A_189 = arith.addi %scan3A_187, %scan3A_188 : i32
    %scan3A_190 = arith.constant 1 : i32
    scf.for %scan3A_207 = %scan3A_187 to %scan3A_189 step %scan3A_190  : i32 {
      %get3A_208 = arith.index_cast %scan3A_207 : i32 to index
      %get3A_209 = arith.constant 0 : index
      %get3A_210 = arith.constant 0 : index
      %get3A_211 = vector.load %arg8[%get3A_208, %get3A_209, %get3A_210] : memref<6x32x1400xf32, #tpu.memory_space<vmem>>, vector<1x32x1400xf32>
      %get3A_212 = vector.shape_cast %get3A_211 : vector<1x32x1400xf32> to vector<32x1400xf32>
      %get3A_213 = arith.index_cast %scan3A_207 : i32 to index
      %get3A_214 = arith.constant 0 : index
      %get3A_215 = arith.constant 0 : index
      %get3A_216 = vector.load %arg9[%get3A_213, %get3A_214, %get3A_215] : memref<6x32x1400xf32, #tpu.memory_space<vmem>>, vector<1x32x1400xf32>
      %get3A_217 = vector.shape_cast %get3A_216 : vector<1x32x1400xf32> to vector<32x1400xf32>
      %ge3A_218 = vector.broadcast %broadcast_in_dim3A_186 : vector<32x1xf32> to vector<32x1400xf32>
      %ge3A_219 = arith.cmpf oge, %get3A_212, %ge3A_218 : vector<32x1400xf32>
      %gt3A_220 = arith.constant 9.99999971E-10 : f32
      %gt3A_221 = vector.broadcast %gt3A_220 : f32 to vector<32x1400xf32>
      %gt3A_222 = arith.cmpf ogt, %get3A_212, %gt3A_221 : vector<32x1400xf32>
      %and3A = arith.andi %ge3A_219, %gt3A_222 : vector<32x1400xi1>
      %convert_element_type3A_223 = arith.extui %and3A : vector<32x1400xi1> to vector<32x1400xi32>
      %convert_element_type3A_224 = arith.sitofp %convert_element_type3A_223 : vector<32x1400xi32> to vector<32x1400xf32>
      %reduce_sum3A = arith.constant dense<0.000000e+00> : vector<1400xf32>
      %reduce_sum3A_225 = vector.multi_reduction <add>, %convert_element_type3A_224, %reduce_sum3A [0] : vector<32x1400xf32> to vector<1400xf32>
      %broadcast_in_dim3A_226 = vector.shape_cast %reduce_sum3A_225 : vector<1400xf32> to vector<1x1400xf32>
      %gt3A_227 = arith.constant 1.000000e+00 : f32
      %gt3A_228 = vector.broadcast %gt3A_227 : f32 to vector<1x1400xf32>
      %gt3A_229 = arith.cmpf ogt, %broadcast_in_dim3A_226, %gt3A_228 : vector<1x1400xf32>
      %reduce_max3A_230 = arith.constant dense<0xFF800000> : vector<1400xf32>
      %reduce_max3A_231 = vector.multi_reduction <maximumf>, %get3A_217, %reduce_max3A_230 [0] : vector<32x1400xf32> to vector<1400xf32>
      %broadcast_in_dim3A_232 = vector.shape_cast %reduce_max3A_231 : vector<1400xf32> to vector<1x1400xf32>
      %ge3A_233 = vector.broadcast %broadcast_in_dim3A_232 : vector<1x1400xf32> to vector<32x1400xf32>
      %ge3A_234 = arith.cmpf oge, %get3A_217, %ge3A_233 : vector<32x1400xf32>
      %jit3A_235 = arith.constant 3.200000e+01 : f32
      %broadcast_in_dim3A_236 = vector.broadcast %jit3A_235 : f32 to vector<32x1400xf32>
      %select_n3A_237 = arith.select %ge3A_234, %convert_element_type3A_90, %broadcast_in_dim3A_236 : vector<32x1400xi1>, vector<32x1400xf32>
      %reduce_min3A = arith.constant dense<0x7F800000> : vector<1400xf32>
      %reduce_min3A_238 = vector.multi_reduction <minimumf>, %select_n3A_237, %reduce_min3A [0] : vector<32x1400xf32> to vector<1400xf32>
      %broadcast_in_dim3A_239 = vector.shape_cast %reduce_min3A_238 : vector<1400xf32> to vector<1x1400xf32>
      %eq3A_240 = vector.broadcast %broadcast_in_dim3A_239 : vector<1x1400xf32> to vector<32x1400xf32>
      %eq3A_241 = arith.cmpf oeq, %convert_element_type3A_90, %eq3A_240 : vector<32x1400xf32>
      %convert_element_type3A_242 = arith.extui %eq3A_241 : vector<32x1400xi1> to vector<32x1400xi32>
      %convert_element_type3A_243 = arith.sitofp %convert_element_type3A_242 : vector<32x1400xi32> to vector<32x1400xf32>
      %broadcast_in_dim3A_244 = vector.shape_cast %gt3A_229 : vector<1x1400xi1> to vector<1x1400xi1>
      %broadcast_in_dim3A_245 = vector.broadcast %broadcast_in_dim3A_244 : vector<1x1400xi1> to vector<32x1400xi1>
      %select_n3A_246 = arith.select %broadcast_in_dim3A_245, %convert_element_type3A_243, %convert_element_type3A_224 : vector<32x1400xi1>, vector<32x1400xf32>
      %swap3A_247 = arith.index_cast %scan3A_207 : i32 to index
      %swap3A_248 = arith.constant 0 : index
      %swap3A_249 = arith.constant 0 : index
      %swap3A_250 = vector.load %arg10[%swap3A_247, %swap3A_248, %swap3A_249] : memref<6x32x1400xf32, #tpu.memory_space<vmem>>, vector<1x32x1400xf32>
      %swap3A_251 = vector.shape_cast %swap3A_250 : vector<1x32x1400xf32> to vector<32x1400xf32>
      %swap3A_252 = vector.shape_cast %select_n3A_246 : vector<32x1400xf32> to vector<1x32x1400xf32>
      tpu.vector_store %arg10[%swap3A_247, %swap3A_248, %swap3A_249], %swap3A_252 {strides = array<i32>} : memref<6x32x1400xf32, #tpu.memory_space<vmem>>, vector<1x32x1400xf32>,
      %mul3A_253 = arith.mulf %get3A_212, %select_n3A_246 : vector<32x1400xf32>
      %reduce_max3A_254 = arith.constant dense<0xFF800000> : vector<32xf32>
      %reduce_max3A_255 = vector.multi_reduction <maximumf>, %mul3A_253, %reduce_max3A_254 [1] : vector<32x1400xf32> to vector<32xf32>
      %broadcast_in_dim3A_256 = vector.shape_cast %reduce_max3A_255 : vector<32xf32> to vector<32x1xf32>
      %mul3A_257 = arith.mulf %get3A_217, %select_n3A_246 : vector<32x1400xf32>
      %reduce_max3A_258 = arith.constant dense<0xFF800000> : vector<32xf32>
      %reduce_max3A_259 = vector.multi_reduction <maximumf>, %mul3A_257, %reduce_max3A_258 [1] : vector<32x1400xf32> to vector<32xf32>
      %broadcast_in_dim3A_260 = vector.shape_cast %reduce_max3A_259 : vector<32xf32> to vector<32x1xf32>
      %get3A_261 = arith.constant 0 : index
      %get3A_262 = arith.constant 0 : index
      %get3A_263 = vector.load %arg12[%get3A_261, %get3A_262] : memref<32x128xf32, #tpu.memory_space<vmem>>, vector<32x1xf32>
      %max3A_264 = arith.maximumf %get3A_263, %broadcast_in_dim3A_256 : vector<32x1xf32>
      %swap3A_265 = arith.constant 0 : index
      %swap3A_266 = arith.constant 0 : index
      %swap3A_267 = vector.load %arg12[%swap3A_265, %swap3A_266] : memref<32x128xf32, #tpu.memory_space<vmem>>, vector<32x1xf32>
      tpu.vector_store %arg12[%swap3A_265, %swap3A_266], %max3A_264 {strides = array<i32>} : memref<32x128xf32, #tpu.memory_space<vmem>>, vector<32x1xf32>,
      %get3A_268 = arith.constant 0 : index
      %get3A_269 = arith.constant 1 : index
      %get3A_270 = vector.load %arg12[%get3A_268, %get3A_269] : memref<32x128xf32, #tpu.memory_space<vmem>>, vector<32x1xf32>
      %max3A_271 = arith.maximumf %get3A_270, %broadcast_in_dim3A_260 : vector<32x1xf32>
      %swap3A_272 = arith.constant 0 : index
      %swap3A_273 = arith.constant 1 : index
      %swap3A_274 = vector.load %arg12[%swap3A_272, %swap3A_273] : memref<32x128xf32, #tpu.memory_space<vmem>>, vector<32x1xf32>
      tpu.vector_store %arg12[%swap3A_272, %swap3A_273], %max3A_271 {strides = array<i32>} : memref<32x128xf32, #tpu.memory_space<vmem>>, vector<32x1xf32>,
    }
    %scan3A_191 = arith.constant 6 : i32
    %get3A_192 = arith.constant 0 : index
    %get3A_193 = arith.constant 0 : index
    %get3A_194 = vector.load %arg12[%get3A_192, %get3A_193] : memref<32x128xf32, #tpu.memory_space<vmem>>, vector<32x1xf32>
    %get3A_195 = arith.constant 0 : index
    %get3A_196 = arith.constant 1 : index
    %get3A_197 = vector.load %arg12[%get3A_195, %get3A_196] : memref<32x128xf32, #tpu.memory_space<vmem>>, vector<32x1xf32>
    %add3A_198 = arith.constant 9.99999971E-10 : f32
    %add3A_199 = vector.broadcast %add3A_198 : f32 to vector<32x1xf32>
    %add3A_200 = arith.addf %get3A_194, %add3A_199 : vector<32x1xf32>
    %div3A_201 = arith.divf %get3A_197, %add3A_200 : vector<32x1xf32>
    %scan3A_202 = arith.constant 0 : i32
    %scan3A_203 = arith.constant 6 : i32
    %scan3A_204 = arith.addi %scan3A_202, %scan3A_203 : i32
    %scan3A_205 = arith.constant 1 : i32
    scf.for %scan3A_207 = %scan3A_202 to %scan3A_204 step %scan3A_205  : i32 {
      %get3A_208 = arith.index_cast %scan3A_207 : i32 to index
      %get3A_209 = arith.constant 0 : index
      %get3A_210 = arith.constant 0 : index
      %get3A_211 = vector.load %arg8[%get3A_208, %get3A_209, %get3A_210] : memref<6x32x1400xf32, #tpu.memory_space<vmem>>, vector<1x32x1400xf32>
      %get3A_212 = vector.shape_cast %get3A_211 : vector<1x32x1400xf32> to vector<32x1400xf32>
      %get3A_213 = arith.index_cast %scan3A_207 : i32 to index
      %get3A_214 = arith.constant 0 : index
      %get3A_215 = arith.constant 0 : index
      %get3A_216 = vector.load %arg10[%get3A_213, %get3A_214, %get3A_215] : memref<6x32x1400xf32, #tpu.memory_space<vmem>>, vector<1x32x1400xf32>
      %get3A_217 = vector.shape_cast %get3A_216 : vector<1x32x1400xf32> to vector<32x1400xf32>
      %get3A_218 = arith.constant 0 : index
      %get3A_219 = arith.index_cast %scan3A_207 : i32 to index
      %get3A_220 = arith.constant 0 : index
      %get3A_221 = arith.constant 0 : index
      %get3A_222 = vector.load %arg2[%get3A_218, %get3A_219, %get3A_220, %get3A_221] : memref<1x6x80x1400xf32, #tpu.memory_space<vmem>>, vector<1x1x80x1400xf32>
      %get3A_223 = vector.shape_cast %get3A_222 : vector<1x1x80x1400xf32> to vector<80x1400xf32>
      %get3A_224 = arith.constant 0 : index
      %get3A_225 = arith.index_cast %scan3A_207 : i32 to index
      %get3A_226 = arith.constant 0 : index
      %get3A_227 = arith.constant 0 : index
      %get3A_228 = vector.load %arg1[%get3A_224, %get3A_225, %get3A_226, %get3A_227] : memref<1x6x64x1400xf32, #tpu.memory_space<vmem>>, vector<1x1x64x1400xf32>
      %get3A_229 = vector.shape_cast %get3A_228 : vector<1x1x64x1400xf32> to vector<64x1400xf32>
      %get3A_230 = arith.index_cast %scan3A_207 : i32 to index
      %get3A_231 = arith.constant 0 : index
      %get3A_232 = arith.constant 0 : index
      %get3A_233 = vector.load %arg3[%get3A_230, %get3A_231, %get3A_232] : memref<6x2x1400xf32, #tpu.memory_space<vmem>>, vector<1x1x1400xf32>
      %get3A_234 = vector.shape_cast %get3A_233 : vector<1x1x1400xf32> to vector<1x1400xf32>
      %get3A_235 = arith.index_cast %scan3A_207 : i32 to index
      %get3A_236 = arith.constant 1 : index
      %get3A_237 = arith.constant 0 : index
      %get3A_238 = vector.load %arg3[%get3A_235, %get3A_236, %get3A_237] : memref<6x2x1400xf32, #tpu.memory_space<vmem>>, vector<1x1x1400xf32>
      %get3A_239 = vector.shape_cast %get3A_238 : vector<1x1x1400xf32> to vector<1x1400xf32>
      %get3A_240 = arith.index_cast %scan3A_207 : i32 to index
      %get3A_241 = arith.constant 0 : index
      %get3A_242 = arith.constant 0 : index
      %get3A_243 = vector.load %arg11[%get3A_240, %get3A_241, %get3A_242] : memref<6x16x1400xf32, #tpu.memory_space<vmem>>, vector<1x1x1400xf32>
      %get3A_244 = vector.shape_cast %get3A_243 : vector<1x1x1400xf32> to vector<1x1400xf32>
      %get3A_245 = arith.index_cast %scan3A_207 : i32 to index
      %get3A_246 = arith.constant 1 : index
      %get3A_247 = arith.constant 0 : index
      %get3A_248 = vector.load %arg11[%get3A_245, %get3A_246, %get3A_247] : memref<6x16x1400xf32, #tpu.memory_space<vmem>>, vector<1x1x1400xf32>
      %get3A_249 = vector.shape_cast %get3A_248 : vector<1x1x1400xf32> to vector<1x1400xf32>
      %get3A_250 = arith.index_cast %scan3A_207 : i32 to index
      %get3A_251 = arith.constant 2 : index
      %get3A_252 = arith.constant 0 : index
      %get3A_253 = vector.load %arg11[%get3A_250, %get3A_251, %get3A_252] : memref<6x16x1400xf32, #tpu.memory_space<vmem>>, vector<1x1x1400xf32>
      %get3A_254 = vector.shape_cast %get3A_253 : vector<1x1x1400xf32> to vector<1x1400xf32>
      %get3A_255 = arith.index_cast %scan3A_207 : i32 to index
      %get3A_256 = arith.constant 3 : index
      %get3A_257 = arith.constant 0 : index
      %get3A_258 = vector.load %arg11[%get3A_255, %get3A_256, %get3A_257] : memref<6x16x1400xf32, #tpu.memory_space<vmem>>, vector<1x1x1400xf32>
      %get3A_259 = vector.shape_cast %get3A_258 : vector<1x1x1400xf32> to vector<1x1400xf32>
      %get3A_260 = arith.index_cast %scan3A_207 : i32 to index
      %get3A_261 = arith.constant 4 : index
      %get3A_262 = arith.constant 0 : index
      %get3A_263 = vector.load %arg11[%get3A_260, %get3A_261, %get3A_262] : memref<6x16x1400xf32, #tpu.memory_space<vmem>>, vector<1x1x1400xf32>
      %get3A_264 = vector.shape_cast %get3A_263 : vector<1x1x1400xf32> to vector<1x1400xf32>
      %reduce_max3A_265 = arith.constant dense<0xFF800000> : vector<1400xf32>
      %reduce_max3A_266 = vector.multi_reduction <maximumf>, %get3A_217, %reduce_max3A_265 [0] : vector<32x1400xf32> to vector<1400xf32>
      %broadcast_in_dim3A_267 = vector.shape_cast %reduce_max3A_266 : vector<1400xf32> to vector<1x1400xf32>
      %ge3A_268 = vector.broadcast %broadcast_in_dim3A_267 : vector<1x1400xf32> to vector<32x1400xf32>
      %ge3A_269 = arith.cmpf oge, %get3A_217, %ge3A_268 : vector<32x1400xf32>
      %jit3A_270 = arith.constant 3.200000e+01 : f32
      %broadcast_in_dim3A_271 = vector.broadcast %jit3A_270 : f32 to vector<32x1400xf32>
      %select_n3A_272 = arith.select %ge3A_269, %convert_element_type3A_90, %broadcast_in_dim3A_271 : vector<32x1400xi1>, vector<32x1400xf32>
      %reduce_min3A = arith.constant dense<0x7F800000> : vector<1400xf32>
      %reduce_min3A_273 = vector.multi_reduction <minimumf>, %select_n3A_272, %reduce_min3A [0] : vector<32x1400xf32> to vector<1400xf32>
      %broadcast_in_dim3A_274 = vector.shape_cast %reduce_min3A_273 : vector<1400xf32> to vector<1x1400xf32>
      %eq3A_275 = vector.broadcast %broadcast_in_dim3A_274 : vector<1x1400xf32> to vector<32x1400xf32>
      %eq3A_276 = arith.cmpf oeq, %convert_element_type3A_90, %eq3A_275 : vector<32x1400xf32>
      %convert_element_type3A_277 = arith.extui %eq3A_276 : vector<32x1400xi1> to vector<32x1400xi32>
      %convert_element_type3A_278 = arith.sitofp %convert_element_type3A_277 : vector<32x1400xi32> to vector<32x1400xf32>
      %gt3A_279 = arith.constant 0.000000e+00 : f32
      %gt3A_280 = vector.broadcast %gt3A_279 : f32 to vector<1x1400xf32>
      %gt3A_281 = arith.cmpf ogt, %broadcast_in_dim3A_267, %gt3A_280 : vector<1x1400xf32>
      %convert_element_type3A_282 = arith.extui %gt3A_281 : vector<1x1400xi1> to vector<1x1400xi32>
      %convert_element_type3A_283 = arith.sitofp %convert_element_type3A_282 : vector<1x1400xi32> to vector<1x1400xf32>
      %mul3A_284 = vector.broadcast %get3A_3 : vector<32x1xf32> to vector<32x1400xf32>
      %mul3A_285 = arith.mulf %convert_element_type3A_278, %mul3A_284 : vector<32x1400xf32>
      %reduce_sum3A = arith.constant dense<0.000000e+00> : vector<1400xf32>
      %reduce_sum3A_286 = vector.multi_reduction <add>, %mul3A_285, %reduce_sum3A [0] : vector<32x1400xf32> to vector<1400xf32>
      %broadcast_in_dim3A_287 = vector.shape_cast %reduce_sum3A_286 : vector<1400xf32> to vector<1x1400xf32>
      %mul3A_288 = vector.broadcast %get3A_8 : vector<32x1xf32> to vector<32x1400xf32>
      %mul3A_289 = arith.mulf %convert_element_type3A_278, %mul3A_288 : vector<32x1400xf32>
      %reduce_sum3A_290 = arith.constant dense<0.000000e+00> : vector<1400xf32>
      %reduce_sum3A_291 = vector.multi_reduction <add>, %mul3A_289, %reduce_sum3A_290 [0] : vector<32x1400xf32> to vector<1400xf32>
      %broadcast_in_dim3A_292 = vector.shape_cast %reduce_sum3A_291 : vector<1400xf32> to vector<1x1400xf32>
      %mul3A_293 = vector.broadcast %get3A_13 : vector<32x1xf32> to vector<32x1400xf32>
      %mul3A_294 = arith.mulf %convert_element_type3A_278, %mul3A_293 : vector<32x1400xf32>
      %reduce_sum3A_295 = arith.constant dense<0.000000e+00> : vector<1400xf32>
      %reduce_sum3A_296 = vector.multi_reduction <add>, %mul3A_294, %reduce_sum3A_295 [0] : vector<32x1400xf32> to vector<1400xf32>
      %broadcast_in_dim3A_297 = vector.shape_cast %reduce_sum3A_296 : vector<1400xf32> to vector<1x1400xf32>
      %mul3A_298 = vector.broadcast %get3A_18 : vector<32x1xf32> to vector<32x1400xf32>
      %mul3A_299 = arith.mulf %convert_element_type3A_278, %mul3A_298 : vector<32x1400xf32>
      %reduce_sum3A_300 = arith.constant dense<0.000000e+00> : vector<1400xf32>
      %reduce_sum3A_301 = vector.multi_reduction <add>, %mul3A_299, %reduce_sum3A_300 [0] : vector<32x1400xf32> to vector<1400xf32>
      %broadcast_in_dim3A_302 = vector.shape_cast %reduce_sum3A_301 : vector<1400xf32> to vector<1x1400xf32>
      %mul3A_303 = vector.broadcast %get3A_23 : vector<32x1xf32> to vector<32x1400xf32>
      %mul3A_304 = arith.mulf %convert_element_type3A_278, %mul3A_303 : vector<32x1400xf32>
      %reduce_sum3A_305 = arith.constant dense<0.000000e+00> : vector<1400xf32>
      %reduce_sum3A_306 = vector.multi_reduction <add>, %mul3A_304, %reduce_sum3A_305 [0] : vector<32x1400xf32> to vector<1400xf32>
      %broadcast_in_dim3A_307 = vector.shape_cast %reduce_sum3A_306 : vector<1400xf32> to vector<1x1400xf32>
      %mul3A_308 = vector.broadcast %select_n3A_88 : vector<32x1xf32> to vector<32x1400xf32>
      %mul3A_309 = arith.mulf %convert_element_type3A_278, %mul3A_308 : vector<32x1400xf32>
      %reduce_sum3A_310 = arith.constant dense<0.000000e+00> : vector<1400xf32>
      %reduce_sum3A_311 = vector.multi_reduction <add>, %mul3A_309, %reduce_sum3A_310 [0] : vector<32x1400xf32> to vector<1400xf32>
      %broadcast_in_dim3A_312 = vector.shape_cast %reduce_sum3A_311 : vector<1400xf32> to vector<1x1400xf32>
      %mul3A_313 = arith.mulf %get3A_212, %get3A_217 : vector<32x1400xf32>
      %mul3A_314 = vector.broadcast %div3A_201 : vector<32x1xf32> to vector<32x1400xf32>
      %mul3A_315 = arith.mulf %mul3A_313, %mul3A_314 : vector<32x1400xf32>
      %reduce_max3A_316 = arith.constant dense<0xFF800000> : vector<1400xf32>
      %reduce_max3A_317 = vector.multi_reduction <maximumf>, %mul3A_315, %reduce_max3A_316 [0] : vector<32x1400xf32> to vector<1400xf32>
      %broadcast_in_dim3A_318 = vector.shape_cast %reduce_max3A_317 : vector<1400xf32> to vector<1x1400xf32>
      %mul3A_319 = arith.mulf %convert_element_type3A_283, %broadcast_in_dim3A_318 : vector<1x1400xf32>
      %jit3A_320 = arith.constant 9.99999997E-7 : f32
      %max3A_321 = vector.broadcast %jit3A_320 : f32 to vector<1x1400xf32>
      %max3A_322 = arith.maximumf %max3A_321, %mul3A_319 : vector<1x1400xf32>
      %reduce_sum3A_323 = vector.shape_cast %mul3A_319 : vector<1x1400xf32> to vector<1x1x1400xf32>
      %reduce_sum3A_324 = arith.constant dense<0.000000e+00> : vector<1xf32>
      %reduce_sum3A_325 = vector.multi_reduction <add>, %reduce_sum3A_323, %reduce_sum3A_324 [1, 2] : vector<1x1x1400xf32> to vector<1xf32>
      %reduce_sum3A_326 = vector.shape_cast %reduce_sum3A_325 : vector<1xf32> to vector<1x1x1xf32>
      %reduce_sum3A_327 = vector.extract %reduce_sum3A_326[0, 0, 0] : f32 from vector<1x1x1xf32>
      %eq3A_328 = vector.broadcast %broadcast_in_dim3A_307 : vector<1x1400xf32> to vector<80x1400xf32>
      %eq3A_329 = arith.cmpf oeq, %convert_element_type3A_92, %eq3A_328 : vector<80x1400xf32>
      %jit3A_330 = arith.constant 0.000000e+00 : f32
      %broadcast_in_dim3A_331 = vector.broadcast %jit3A_330 : f32 to vector<80x1400xf32>
      %select_n3A_332 = arith.select %eq3A_329, %get3A_223, %broadcast_in_dim3A_331 : vector<80x1400xi1>, vector<80x1400xf32>
      %reduce_sum3A_333 = arith.constant dense<0.000000e+00> : vector<1400xf32>
      %reduce_sum3A_334 = vector.multi_reduction <add>, %select_n3A_332, %reduce_sum3A_333 [0] : vector<80x1400xf32> to vector<1400xf32>
      %broadcast_in_dim3A_335 = vector.shape_cast %reduce_sum3A_334 : vector<1400xf32> to vector<1x1400xf32>
      %mul3A_336 = arith.mulf %broadcast_in_dim3A_335, %mul3A_319 : vector<1x1400xf32>
      %reduce_sum3A_337 = vector.shape_cast %mul3A_336 : vector<1x1400xf32> to vector<1x1x1400xf32>
      %reduce_sum3A_338 = arith.constant dense<0.000000e+00> : vector<1xf32>
      %reduce_sum3A_339 = vector.multi_reduction <add>, %reduce_sum3A_337, %reduce_sum3A_338 [1, 2] : vector<1x1x1400xf32> to vector<1xf32>
      %reduce_sum3A_340 = vector.shape_cast %reduce_sum3A_339 : vector<1xf32> to vector<1x1x1xf32>
      %reduce_sum3A_341 = vector.extract %reduce_sum3A_340[0, 0, 0] : f32 from vector<1x1x1xf32>
      %sub3A_342 = arith.subf %get3A_254, %get3A_244 : vector<1x1400xf32>
      %sub3A_343 = arith.subf %get3A_259, %get3A_249 : vector<1x1400xf32>
      %add3A_344 = arith.constant 1.000000e-07 : f32
      %add3A_345 = vector.broadcast %add3A_344 : f32 to vector<1x1400xf32>
      %add3A_346 = arith.addf %sub3A_343, %add3A_345 : vector<1x1400xf32>
      %sub3A_347 = arith.subf %broadcast_in_dim3A_297, %broadcast_in_dim3A_287 : vector<1x1400xf32>
      %sub3A_348 = arith.subf %broadcast_in_dim3A_302, %broadcast_in_dim3A_292 : vector<1x1400xf32>
      %add3A_349 = arith.constant 1.000000e-07 : f32
      %add3A_350 = vector.broadcast %add3A_349 : f32 to vector<1x1400xf32>
      %add3A_351 = arith.addf %sub3A_348, %add3A_350 : vector<1x1400xf32>
      %min3A = arith.minimumf %get3A_254, %broadcast_in_dim3A_297 : vector<1x1400xf32>
      %max3A_352 = arith.maximumf %get3A_244, %broadcast_in_dim3A_287 : vector<1x1400xf32>
      %sub3A_353 = arith.subf %min3A, %max3A_352 : vector<1x1400xf32>
      %max3A_354 = arith.constant 0.000000e+00 : f32
      %max3A_355 = vector.broadcast %max3A_354 : f32 to vector<1x1400xf32>
      %max3A_356 = arith.maximumf %sub3A_353, %max3A_355 : vector<1x1400xf32>
      %min3A_357 = arith.minimumf %get3A_259, %broadcast_in_dim3A_302 : vector<1x1400xf32>
      %max3A_358 = arith.maximumf %get3A_249, %broadcast_in_dim3A_292 : vector<1x1400xf32>
      %sub3A_359 = arith.subf %min3A_357, %max3A_358 : vector<1x1400xf32>
      %max3A_360 = arith.constant 0.000000e+00 : f32
      %max3A_361 = vector.broadcast %max3A_360 : f32 to vector<1x1400xf32>
      %max3A_362 = arith.maximumf %sub3A_359, %max3A_361 : vector<1x1400xf32>
      %mul3A_363 = arith.mulf %max3A_356, %max3A_362 : vector<1x1400xf32>
      %mul3A_364 = arith.mulf %sub3A_342, %add3A_346 : vector<1x1400xf32>
      %mul3A_365 = arith.mulf %sub3A_347, %add3A_351 : vector<1x1400xf32>
      %add3A_366 = arith.addf %mul3A_364, %mul3A_365 : vector<1x1400xf32>
      %sub3A_367 = arith.subf %add3A_366, %mul3A_363 : vector<1x1400xf32>
      %add3A_368 = arith.constant 1.000000e-07 : f32
      %add3A_369 = vector.broadcast %add3A_368 : f32 to vector<1x1400xf32>
      %add3A_370 = arith.addf %sub3A_367, %add3A_369 : vector<1x1400xf32>
      %div3A_371 = arith.divf %mul3A_363, %add3A_370 : vector<1x1400xf32>
      %max3A_372 = arith.maximumf %get3A_254, %broadcast_in_dim3A_297 : vector<1x1400xf32>
      %min3A_373 = arith.minimumf %get3A_244, %broadcast_in_dim3A_287 : vector<1x1400xf32>
      %sub3A_374 = arith.subf %max3A_372, %min3A_373 : vector<1x1400xf32>
      %max3A_375 = arith.maximumf %get3A_259, %broadcast_in_dim3A_302 : vector<1x1400xf32>
      %min3A_376 = arith.minimumf %get3A_249, %broadcast_in_dim3A_292 : vector<1x1400xf32>
      %sub3A_377 = arith.subf %max3A_375, %min3A_376 : vector<1x1400xf32>
      %mul3A_378 = arith.mulf %sub3A_374, %sub3A_374 : vector<1x1400xf32>
      %mul3A_379 = arith.mulf %sub3A_377, %sub3A_377 : vector<1x1400xf32>
      %add3A_380 = arith.addf %mul3A_378, %mul3A_379 : vector<1x1400xf32>
      %add3A_381 = arith.constant 1.000000e-07 : f32
      %add3A_382 = vector.broadcast %add3A_381 : f32 to vector<1x1400xf32>
      %add3A_383 = arith.addf %add3A_380, %add3A_382 : vector<1x1400xf32>
      %add3A_384 = arith.addf %broadcast_in_dim3A_287, %broadcast_in_dim3A_297 : vector<1x1400xf32>
      %sub3A_385 = arith.subf %add3A_384, %get3A_244 : vector<1x1400xf32>
      %sub3A_386 = arith.subf %sub3A_385, %get3A_254 : vector<1x1400xf32>
      %integer_pow3A = arith.mulf %sub3A_386, %sub3A_386 : vector<1x1400xf32>
      %add3A_387 = arith.addf %broadcast_in_dim3A_292, %broadcast_in_dim3A_302 : vector<1x1400xf32>
      %sub3A_388 = arith.subf %add3A_387, %get3A_249 : vector<1x1400xf32>
      %sub3A_389 = arith.subf %sub3A_388, %get3A_259 : vector<1x1400xf32>
      %integer_pow3A_390 = arith.mulf %sub3A_389, %sub3A_389 : vector<1x1400xf32>
      %add3A_391 = arith.addf %integer_pow3A, %integer_pow3A_390 : vector<1x1400xf32>
      %mul3A_392 = arith.constant 2.500000e-01 : f32
      %mul3A_393 = vector.broadcast %mul3A_392 : f32 to vector<1x1400xf32>
      %mul3A_394 = arith.mulf %add3A_391, %mul3A_393 : vector<1x1400xf32>
      %sub3A_395 = arith.subf %broadcast_in_dim3A_312, %get3A_264 : vector<1x1400xf32>
      %mul3A_396 = arith.constant 0.405284733 : f32
      %mul3A_397 = vector.broadcast %mul3A_396 : f32 to vector<1x1400xf32>
      %mul3A_398 = arith.mulf %mul3A_397, %sub3A_395 : vector<1x1400xf32>
      %mul3A_399 = arith.mulf %mul3A_398, %sub3A_395 : vector<1x1400xf32>
      %sub3A_400 = arith.subf %mul3A_399, %div3A_371 : vector<1x1400xf32>
      %add3A_401 = arith.constant 1.00000012 : f32
      %add3A_402 = vector.broadcast %add3A_401 : f32 to vector<1x1400xf32>
      %add3A_403 = arith.addf %sub3A_400, %add3A_402 : vector<1x1400xf32>
      %div3A_404 = arith.divf %mul3A_399, %add3A_403 : vector<1x1400xf32>
      %div3A_405 = arith.divf %mul3A_394, %add3A_383 : vector<1x1400xf32>
      %mul3A_406 = arith.mulf %mul3A_399, %div3A_404 : vector<1x1400xf32>
      %add3A_407 = arith.addf %div3A_405, %mul3A_406 : vector<1x1400xf32>
      %sub3A_408 = arith.subf %div3A_371, %add3A_407 : vector<1x1400xf32>
      %jit3A_409 = arith.constant -1.000000e+00 : f32
      %jit3A_410 = arith.constant 1.000000e+00 : f32
      %max3A_411 = vector.broadcast %jit3A_409 : f32 to vector<1x1400xf32>
      %max3A_412 = arith.maximumf %max3A_411, %sub3A_408 : vector<1x1400xf32>
      %min3A_413 = vector.broadcast %jit3A_410 : f32 to vector<1x1400xf32>
      %min3A_414 = arith.minimumf %min3A_413, %max3A_412 : vector<1x1400xf32>
      %sub3A_415 = arith.constant 1.000000e+00 : f32
      %sub3A_416 = vector.broadcast %sub3A_415 : f32 to vector<1x1400xf32>
      %sub3A_417 = arith.subf %sub3A_416, %min3A_414 : vector<1x1400xf32>
      %mul3A_418 = arith.mulf %sub3A_417, %max3A_322 : vector<1x1400xf32>
      %mul3A_419 = arith.mulf %mul3A_418, %convert_element_type3A_283 : vector<1x1400xf32>
      %reduce_sum3A_420 = vector.shape_cast %mul3A_419 : vector<1x1400xf32> to vector<1x1x1400xf32>
      %reduce_sum3A_421 = arith.constant dense<0.000000e+00> : vector<1xf32>
      %reduce_sum3A_422 = vector.multi_reduction <add>, %reduce_sum3A_420, %reduce_sum3A_421 [1, 2] : vector<1x1x1400xf32> to vector<1xf32>
      %reduce_sum3A_423 = vector.shape_cast %reduce_sum3A_422 : vector<1xf32> to vector<1x1x1xf32>
      %reduce_sum3A_424 = vector.extract %reduce_sum3A_423[0, 0, 0] : f32 from vector<1x1x1xf32>
      %sub3A_425 = arith.subf %get3A_234, %broadcast_in_dim3A_287 : vector<1x1400xf32>
      %sub3A_426 = arith.subf %get3A_239, %broadcast_in_dim3A_292 : vector<1x1400xf32>
      %sub3A_427 = arith.subf %broadcast_in_dim3A_297, %get3A_234 : vector<1x1400xf32>
      %sub3A_428 = arith.subf %broadcast_in_dim3A_302, %get3A_239 : vector<1x1400xf32>
      %jit3A_429 = arith.constant 0.000000e+00 : f32
      %jit3A_430 = arith.constant 1.499000e+01 : f32
      %max3A_431 = vector.broadcast %jit3A_429 : f32 to vector<1x1400xf32>
      %max3A_432 = arith.maximumf %max3A_431, %sub3A_425 : vector<1x1400xf32>
      %min3A_433 = vector.broadcast %jit3A_430 : f32 to vector<1x1400xf32>
      %min3A_434 = arith.minimumf %min3A_433, %max3A_432 : vector<1x1400xf32>
      %jit3A_435 = arith.constant 0.000000e+00 : f32
      %jit3A_436 = arith.constant 1.499000e+01 : f32
      %max3A_437 = vector.broadcast %jit3A_435 : f32 to vector<1x1400xf32>
      %max3A_438 = arith.maximumf %max3A_437, %sub3A_426 : vector<1x1400xf32>
      %min3A_439 = vector.broadcast %jit3A_436 : f32 to vector<1x1400xf32>
      %min3A_440 = arith.minimumf %min3A_439, %max3A_438 : vector<1x1400xf32>
      %jit3A_441 = arith.constant 0.000000e+00 : f32
      %jit3A_442 = arith.constant 1.499000e+01 : f32
      %max3A_443 = vector.broadcast %jit3A_441 : f32 to vector<1x1400xf32>
      %max3A_444 = arith.maximumf %max3A_443, %sub3A_427 : vector<1x1400xf32>
      %min3A_445 = vector.broadcast %jit3A_442 : f32 to vector<1x1400xf32>
      %min3A_446 = arith.minimumf %min3A_445, %max3A_444 : vector<1x1400xf32>
      %jit3A_447 = arith.constant 0.000000e+00 : f32
      %jit3A_448 = arith.constant 1.499000e+01 : f32
      %max3A_449 = vector.broadcast %jit3A_447 : f32 to vector<1x1400xf32>
      %max3A_450 = arith.maximumf %max3A_449, %sub3A_428 : vector<1x1400xf32>
      %min3A_451 = vector.broadcast %jit3A_448 : f32 to vector<1x1400xf32>
      %min3A_452 = arith.minimumf %min3A_451, %max3A_450 : vector<1x1400xf32>
      %broadcast_in_dim3A_453 = arith.constant 0.000000e+00 : f32
      %broadcast_in_dim3A_454 = vector.broadcast %broadcast_in_dim3A_453 : f32 to vector<1x1400xf32>
      %floor3A = math.floor %min3A_434 : vector<1x1400xf32>
      %jit3A_455 = arith.constant 0.000000e+00 : f32
      %jit3A_456 = arith.constant 1.400000e+01 : f32
      %max3A_457 = vector.broadcast %jit3A_455 : f32 to vector<1x1400xf32>
      %max3A_458 = arith.maximumf %max3A_457, %floor3A : vector<1x1400xf32>
      %min3A_459 = vector.broadcast %jit3A_456 : f32 to vector<1x1400xf32>
      %min3A_460 = arith.minimumf %min3A_459, %max3A_458 : vector<1x1400xf32>
      %add3A_461 = arith.constant 1.000000e+00 : f32
      %add3A_462 = vector.broadcast %add3A_461 : f32 to vector<1x1400xf32>
      %add3A_463 = arith.addf %min3A_460, %add3A_462 : vector<1x1400xf32>
      %sub3A_464 = arith.subf %add3A_463, %min3A_434 : vector<1x1400xf32>
      %jit3A_465 = arith.constant 0.000000e+00 : f32
      %jit3A_466 = arith.constant 1.000000e+00 : f32
      %max3A_467 = vector.broadcast %jit3A_465 : f32 to vector<1x1400xf32>
      %max3A_468 = arith.maximumf %max3A_467, %sub3A_464 : vector<1x1400xf32>
      %min3A_469 = vector.broadcast %jit3A_466 : f32 to vector<1x1400xf32>
      %min3A_470 = arith.minimumf %min3A_469, %max3A_468 : vector<1x1400xf32>
      %sub3A_471 = arith.subf %min3A_434, %min3A_460 : vector<1x1400xf32>
      %jit3A_472 = arith.constant 0.000000e+00 : f32
      %jit3A_473 = arith.constant 1.000000e+00 : f32
      %max3A_474 = vector.broadcast %jit3A_472 : f32 to vector<1x1400xf32>
      %max3A_475 = arith.maximumf %max3A_474, %sub3A_471 : vector<1x1400xf32>
      %min3A_476 = vector.broadcast %jit3A_473 : f32 to vector<1x1400xf32>
      %min3A_477 = arith.minimumf %min3A_476, %max3A_475 : vector<1x1400xf32>
      %slice3A = vector.extract_strided_slice %get3A_229 {offsets = [0, 0], sizes = [16, 1400], strides = [1, 1]} : vector<64x1400xf32> to vector<16x1400xf32>
      %get3A_478 = arith.index_cast %scan3A_207 : i32 to index
      %get3A_479 = arith.constant 5 : index
      %get3A_480 = arith.constant 0 : index
      %get3A_481 = vector.load %arg11[%get3A_478, %get3A_479, %get3A_480] : memref<6x16x1400xf32, #tpu.memory_space<vmem>>, vector<1x1x1400xf32>
      %get3A_482 = vector.shape_cast %get3A_481 : vector<1x1x1400xf32> to vector<1x1400xf32>
      %sub3A_483 = vector.broadcast %get3A_482 : vector<1x1400xf32> to vector<16x1400xf32>
      %sub3A_484 = arith.subf %slice3A, %sub3A_483 : vector<16x1400xf32>
      %eq3A_485 = vector.broadcast %min3A_460 : vector<1x1400xf32> to vector<16x1400xf32>
      %eq3A_486 = arith.cmpf oeq, %convert_element_type3A, %eq3A_485 : vector<16x1400xf32>
      %jit3A_487 = arith.constant 0.000000e+00 : f32
      %broadcast_in_dim3A_488 = vector.broadcast %jit3A_487 : f32 to vector<16x1400xf32>
      %select_n3A_489 = arith.select %eq3A_486, %sub3A_484, %broadcast_in_dim3A_488 : vector<16x1400xi1>, vector<16x1400xf32>
      %reduce_sum3A_490 = arith.constant dense<0.000000e+00> : vector<1400xf32>
      %reduce_sum3A_491 = vector.multi_reduction <add>, %select_n3A_489, %reduce_sum3A_490 [0] : vector<16x1400xf32> to vector<1400xf32>
      %broadcast_in_dim3A_492 = vector.shape_cast %reduce_sum3A_491 : vector<1400xf32> to vector<1x1400xf32>
      %neg3A_493 = arith.constant 0.000000e+00 : f32
      %neg3A_494 = vector.broadcast %neg3A_493 : f32 to vector<1x1400xf32>
      %neg3A_495 = arith.subf %neg3A_494, %broadcast_in_dim3A_492 : vector<1x1400xf32>
      %eq3A_496 = vector.broadcast %add3A_463 : vector<1x1400xf32> to vector<16x1400xf32>
      %eq3A_497 = arith.cmpf oeq, %convert_element_type3A, %eq3A_496 : vector<16x1400xf32>
      %jit3A_498 = arith.constant 0.000000e+00 : f32
      %broadcast_in_dim3A_499 = vector.broadcast %jit3A_498 : f32 to vector<16x1400xf32>
      %select_n3A_500 = arith.select %eq3A_497, %sub3A_484, %broadcast_in_dim3A_499 : vector<16x1400xi1>, vector<16x1400xf32>
      %reduce_sum3A_501 = arith.constant dense<0.000000e+00> : vector<1400xf32>
      %reduce_sum3A_502 = vector.multi_reduction <add>, %select_n3A_500, %reduce_sum3A_501 [0] : vector<16x1400xf32> to vector<1400xf32>
      %broadcast_in_dim3A_503 = vector.shape_cast %reduce_sum3A_502 : vector<1400xf32> to vector<1x1400xf32>
      %neg3A_504 = arith.constant 0.000000e+00 : f32
      %neg3A_505 = vector.broadcast %neg3A_504 : f32 to vector<1x1400xf32>
      %neg3A_506 = arith.subf %neg3A_505, %broadcast_in_dim3A_503 : vector<1x1400xf32>
      %mul3A_507 = arith.mulf %neg3A_495, %min3A_470 : vector<1x1400xf32>
      %add3A_508 = arith.addf %broadcast_in_dim3A_454, %mul3A_507 : vector<1x1400xf32>
      %mul3A_509 = arith.mulf %neg3A_506, %min3A_477 : vector<1x1400xf32>
      %add3A_510 = arith.addf %add3A_508, %mul3A_509 : vector<1x1400xf32>
      %floor3A_511 = math.floor %min3A_440 : vector<1x1400xf32>
      %jit3A_512 = arith.constant 0.000000e+00 : f32
      %jit3A_513 = arith.constant 1.400000e+01 : f32
      %max3A_514 = vector.broadcast %jit3A_512 : f32 to vector<1x1400xf32>
      %max3A_515 = arith.maximumf %max3A_514, %floor3A_511 : vector<1x1400xf32>
      %min3A_516 = vector.broadcast %jit3A_513 : f32 to vector<1x1400xf32>
      %min3A_517 = arith.minimumf %min3A_516, %max3A_515 : vector<1x1400xf32>
      %add3A_518 = arith.constant 1.000000e+00 : f32
      %add3A_519 = vector.broadcast %add3A_518 : f32 to vector<1x1400xf32>
      %add3A_520 = arith.addf %min3A_517, %add3A_519 : vector<1x1400xf32>
      %sub3A_521 = arith.subf %add3A_520, %min3A_440 : vector<1x1400xf32>
      %jit3A_522 = arith.constant 0.000000e+00 : f32
      %jit3A_523 = arith.constant 1.000000e+00 : f32
      %max3A_524 = vector.broadcast %jit3A_522 : f32 to vector<1x1400xf32>
      %max3A_525 = arith.maximumf %max3A_524, %sub3A_521 : vector<1x1400xf32>
      %min3A_526 = vector.broadcast %jit3A_523 : f32 to vector<1x1400xf32>
      %min3A_527 = arith.minimumf %min3A_526, %max3A_525 : vector<1x1400xf32>
      %sub3A_528 = arith.subf %min3A_440, %min3A_517 : vector<1x1400xf32>
      %jit3A_529 = arith.constant 0.000000e+00 : f32
      %jit3A_530 = arith.constant 1.000000e+00 : f32
      %max3A_531 = vector.broadcast %jit3A_529 : f32 to vector<1x1400xf32>
      %max3A_532 = arith.maximumf %max3A_531, %sub3A_528 : vector<1x1400xf32>
      %min3A_533 = vector.broadcast %jit3A_530 : f32 to vector<1x1400xf32>
      %min3A_534 = arith.minimumf %min3A_533, %max3A_532 : vector<1x1400xf32>
      %slice3A_535 = vector.extract_strided_slice %get3A_229 {offsets = [16, 0], sizes = [16, 1400], strides = [1, 1]} : vector<64x1400xf32> to vector<16x1400xf32>
      %get3A_536 = arith.index_cast %scan3A_207 : i32 to index
      %get3A_537 = arith.constant 6 : index
      %get3A_538 = arith.constant 0 : index
      %get3A_539 = vector.load %arg11[%get3A_536, %get3A_537, %get3A_538] : memref<6x16x1400xf32, #tpu.memory_space<vmem>>, vector<1x1x1400xf32>
      %get3A_540 = vector.shape_cast %get3A_539 : vector<1x1x1400xf32> to vector<1x1400xf32>
      %sub3A_541 = vector.broadcast %get3A_540 : vector<1x1400xf32> to vector<16x1400xf32>
      %sub3A_542 = arith.subf %slice3A_535, %sub3A_541 : vector<16x1400xf32>
      %eq3A_543 = vector.broadcast %min3A_517 : vector<1x1400xf32> to vector<16x1400xf32>
      %eq3A_544 = arith.cmpf oeq, %convert_element_type3A, %eq3A_543 : vector<16x1400xf32>
      %jit3A_545 = arith.constant 0.000000e+00 : f32
      %broadcast_in_dim3A_546 = vector.broadcast %jit3A_545 : f32 to vector<16x1400xf32>
      %select_n3A_547 = arith.select %eq3A_544, %sub3A_542, %broadcast_in_dim3A_546 : vector<16x1400xi1>, vector<16x1400xf32>
      %reduce_sum3A_548 = arith.constant dense<0.000000e+00> : vector<1400xf32>
      %reduce_sum3A_549 = vector.multi_reduction <add>, %select_n3A_547, %reduce_sum3A_548 [0] : vector<16x1400xf32> to vector<1400xf32>
      %broadcast_in_dim3A_550 = vector.shape_cast %reduce_sum3A_549 : vector<1400xf32> to vector<1x1400xf32>
      %neg3A_551 = arith.constant 0.000000e+00 : f32
      %neg3A_552 = vector.broadcast %neg3A_551 : f32 to vector<1x1400xf32>
      %neg3A_553 = arith.subf %neg3A_552, %broadcast_in_dim3A_550 : vector<1x1400xf32>
      %eq3A_554 = vector.broadcast %add3A_520 : vector<1x1400xf32> to vector<16x1400xf32>
      %eq3A_555 = arith.cmpf oeq, %convert_element_type3A, %eq3A_554 : vector<16x1400xf32>
      %jit3A_556 = arith.constant 0.000000e+00 : f32
      %broadcast_in_dim3A_557 = vector.broadcast %jit3A_556 : f32 to vector<16x1400xf32>
      %select_n3A_558 = arith.select %eq3A_555, %sub3A_542, %broadcast_in_dim3A_557 : vector<16x1400xi1>, vector<16x1400xf32>
      %reduce_sum3A_559 = arith.constant dense<0.000000e+00> : vector<1400xf32>
      %reduce_sum3A_560 = vector.multi_reduction <add>, %select_n3A_558, %reduce_sum3A_559 [0] : vector<16x1400xf32> to vector<1400xf32>
      %broadcast_in_dim3A_561 = vector.shape_cast %reduce_sum3A_560 : vector<1400xf32> to vector<1x1400xf32>
      %neg3A_562 = arith.constant 0.000000e+00 : f32
      %neg3A_563 = vector.broadcast %neg3A_562 : f32 to vector<1x1400xf32>
      %neg3A_564 = arith.subf %neg3A_563, %broadcast_in_dim3A_561 : vector<1x1400xf32>
      %mul3A_565 = arith.mulf %neg3A_553, %min3A_527 : vector<1x1400xf32>
      %add3A_566 = arith.addf %add3A_510, %mul3A_565 : vector<1x1400xf32>
      %mul3A_567 = arith.mulf %neg3A_564, %min3A_534 : vector<1x1400xf32>
      %add3A_568 = arith.addf %add3A_566, %mul3A_567 : vector<1x1400xf32>
      %floor3A_569 = math.floor %min3A_446 : vector<1x1400xf32>
      %jit3A_570 = arith.constant 0.000000e+00 : f32
      %jit3A_571 = arith.constant 1.400000e+01 : f32
      %max3A_572 = vector.broadcast %jit3A_570 : f32 to vector<1x1400xf32>
      %max3A_573 = arith.maximumf %max3A_572, %floor3A_569 : vector<1x1400xf32>
      %min3A_574 = vector.broadcast %jit3A_571 : f32 to vector<1x1400xf32>
      %min3A_575 = arith.minimumf %min3A_574, %max3A_573 : vector<1x1400xf32>
      %add3A_576 = arith.constant 1.000000e+00 : f32
      %add3A_577 = vector.broadcast %add3A_576 : f32 to vector<1x1400xf32>
      %add3A_578 = arith.addf %min3A_575, %add3A_577 : vector<1x1400xf32>
      %sub3A_579 = arith.subf %add3A_578, %min3A_446 : vector<1x1400xf32>
      %jit3A_580 = arith.constant 0.000000e+00 : f32
      %jit3A_581 = arith.constant 1.000000e+00 : f32
      %max3A_582 = vector.broadcast %jit3A_580 : f32 to vector<1x1400xf32>
      %max3A_583 = arith.maximumf %max3A_582, %sub3A_579 : vector<1x1400xf32>
      %min3A_584 = vector.broadcast %jit3A_581 : f32 to vector<1x1400xf32>
      %min3A_585 = arith.minimumf %min3A_584, %max3A_583 : vector<1x1400xf32>
      %sub3A_586 = arith.subf %min3A_446, %min3A_575 : vector<1x1400xf32>
      %jit3A_587 = arith.constant 0.000000e+00 : f32
      %jit3A_588 = arith.constant 1.000000e+00 : f32
      %max3A_589 = vector.broadcast %jit3A_587 : f32 to vector<1x1400xf32>
      %max3A_590 = arith.maximumf %max3A_589, %sub3A_586 : vector<1x1400xf32>
      %min3A_591 = vector.broadcast %jit3A_588 : f32 to vector<1x1400xf32>
      %min3A_592 = arith.minimumf %min3A_591, %max3A_590 : vector<1x1400xf32>
      %slice3A_593 = vector.extract_strided_slice %get3A_229 {offsets = [32, 0], sizes = [16, 1400], strides = [1, 1]} : vector<64x1400xf32> to vector<16x1400xf32>
      %get3A_594 = arith.index_cast %scan3A_207 : i32 to index
      %get3A_595 = arith.constant 7 : index
      %get3A_596 = arith.constant 0 : index
      %get3A_597 = vector.load %arg11[%get3A_594, %get3A_595, %get3A_596] : memref<6x16x1400xf32, #tpu.memory_space<vmem>>, vector<1x1x1400xf32>
      %get3A_598 = vector.shape_cast %get3A_597 : vector<1x1x1400xf32> to vector<1x1400xf32>
      %sub3A_599 = vector.broadcast %get3A_598 : vector<1x1400xf32> to vector<16x1400xf32>
      %sub3A_600 = arith.subf %slice3A_593, %sub3A_599 : vector<16x1400xf32>
      %eq3A_601 = vector.broadcast %min3A_575 : vector<1x1400xf32> to vector<16x1400xf32>
      %eq3A_602 = arith.cmpf oeq, %convert_element_type3A, %eq3A_601 : vector<16x1400xf32>
      %jit3A_603 = arith.constant 0.000000e+00 : f32
      %broadcast_in_dim3A_604 = vector.broadcast %jit3A_603 : f32 to vector<16x1400xf32>
      %select_n3A_605 = arith.select %eq3A_602, %sub3A_600, %broadcast_in_dim3A_604 : vector<16x1400xi1>, vector<16x1400xf32>
      %reduce_sum3A_606 = arith.constant dense<0.000000e+00> : vector<1400xf32>
      %reduce_sum3A_607 = vector.multi_reduction <add>, %select_n3A_605, %reduce_sum3A_606 [0] : vector<16x1400xf32> to vector<1400xf32>
      %broadcast_in_dim3A_608 = vector.shape_cast %reduce_sum3A_607 : vector<1400xf32> to vector<1x1400xf32>
      %neg3A_609 = arith.constant 0.000000e+00 : f32
      %neg3A_610 = vector.broadcast %neg3A_609 : f32 to vector<1x1400xf32>
      %neg3A_611 = arith.subf %neg3A_610, %broadcast_in_dim3A_608 : vector<1x1400xf32>
      %eq3A_612 = vector.broadcast %add3A_578 : vector<1x1400xf32> to vector<16x1400xf32>
      %eq3A_613 = arith.cmpf oeq, %convert_element_type3A, %eq3A_612 : vector<16x1400xf32>
      %jit3A_614 = arith.constant 0.000000e+00 : f32
      %broadcast_in_dim3A_615 = vector.broadcast %jit3A_614 : f32 to vector<16x1400xf32>
      %select_n3A_616 = arith.select %eq3A_613, %sub3A_600, %broadcast_in_dim3A_615 : vector<16x1400xi1>, vector<16x1400xf32>
      %reduce_sum3A_617 = arith.constant dense<0.000000e+00> : vector<1400xf32>
      %reduce_sum3A_618 = vector.multi_reduction <add>, %select_n3A_616, %reduce_sum3A_617 [0] : vector<16x1400xf32> to vector<1400xf32>
      %broadcast_in_dim3A_619 = vector.shape_cast %reduce_sum3A_618 : vector<1400xf32> to vector<1x1400xf32>
      %neg3A_620 = arith.constant 0.000000e+00 : f32
      %neg3A_621 = vector.broadcast %neg3A_620 : f32 to vector<1x1400xf32>
      %neg3A_622 = arith.subf %neg3A_621, %broadcast_in_dim3A_619 : vector<1x1400xf32>
      %mul3A_623 = arith.mulf %neg3A_611, %min3A_585 : vector<1x1400xf32>
      %add3A_624 = arith.addf %add3A_568, %mul3A_623 : vector<1x1400xf32>
      %mul3A_625 = arith.mulf %neg3A_622, %min3A_592 : vector<1x1400xf32>
      %add3A_626 = arith.addf %add3A_624, %mul3A_625 : vector<1x1400xf32>
      %floor3A_627 = math.floor %min3A_452 : vector<1x1400xf32>
      %jit3A_628 = arith.constant 0.000000e+00 : f32
      %jit3A_629 = arith.constant 1.400000e+01 : f32
      %max3A_630 = vector.broadcast %jit3A_628 : f32 to vector<1x1400xf32>
      %max3A_631 = arith.maximumf %max3A_630, %floor3A_627 : vector<1x1400xf32>
      %min3A_632 = vector.broadcast %jit3A_629 : f32 to vector<1x1400xf32>
      %min3A_633 = arith.minimumf %min3A_632, %max3A_631 : vector<1x1400xf32>
      %add3A_634 = arith.constant 1.000000e+00 : f32
      %add3A_635 = vector.broadcast %add3A_634 : f32 to vector<1x1400xf32>
      %add3A_636 = arith.addf %min3A_633, %add3A_635 : vector<1x1400xf32>
      %sub3A_637 = arith.subf %add3A_636, %min3A_452 : vector<1x1400xf32>
      %jit3A_638 = arith.constant 0.000000e+00 : f32
      %jit3A_639 = arith.constant 1.000000e+00 : f32
      %max3A_640 = vector.broadcast %jit3A_638 : f32 to vector<1x1400xf32>
      %max3A_641 = arith.maximumf %max3A_640, %sub3A_637 : vector<1x1400xf32>
      %min3A_642 = vector.broadcast %jit3A_639 : f32 to vector<1x1400xf32>
      %min3A_643 = arith.minimumf %min3A_642, %max3A_641 : vector<1x1400xf32>
      %sub3A_644 = arith.subf %min3A_452, %min3A_633 : vector<1x1400xf32>
      %jit3A_645 = arith.constant 0.000000e+00 : f32
      %jit3A_646 = arith.constant 1.000000e+00 : f32
      %max3A_647 = vector.broadcast %jit3A_645 : f32 to vector<1x1400xf32>
      %max3A_648 = arith.maximumf %max3A_647, %sub3A_644 : vector<1x1400xf32>
      %min3A_649 = vector.broadcast %jit3A_646 : f32 to vector<1x1400xf32>
      %min3A_650 = arith.minimumf %min3A_649, %max3A_648 : vector<1x1400xf32>
      %slice3A_651 = vector.extract_strided_slice %get3A_229 {offsets = [48, 0], sizes = [16, 1400], strides = [1, 1]} : vector<64x1400xf32> to vector<16x1400xf32>
      %get3A_652 = arith.index_cast %scan3A_207 : i32 to index
      %get3A_653 = arith.constant 8 : index
      %get3A_654 = arith.constant 0 : index
      %get3A_655 = vector.load %arg11[%get3A_652, %get3A_653, %get3A_654] : memref<6x16x1400xf32, #tpu.memory_space<vmem>>, vector<1x1x1400xf32>
      %get3A_656 = vector.shape_cast %get3A_655 : vector<1x1x1400xf32> to vector<1x1400xf32>
      %sub3A_657 = vector.broadcast %get3A_656 : vector<1x1400xf32> to vector<16x1400xf32>
      %sub3A_658 = arith.subf %slice3A_651, %sub3A_657 : vector<16x1400xf32>
      %eq3A_659 = vector.broadcast %min3A_633 : vector<1x1400xf32> to vector<16x1400xf32>
      %eq3A_660 = arith.cmpf oeq, %convert_element_type3A, %eq3A_659 : vector<16x1400xf32>
      %jit3A_661 = arith.constant 0.000000e+00 : f32
      %broadcast_in_dim3A_662 = vector.broadcast %jit3A_661 : f32 to vector<16x1400xf32>
      %select_n3A_663 = arith.select %eq3A_660, %sub3A_658, %broadcast_in_dim3A_662 : vector<16x1400xi1>, vector<16x1400xf32>
      %reduce_sum3A_664 = arith.constant dense<0.000000e+00> : vector<1400xf32>
      %reduce_sum3A_665 = vector.multi_reduction <add>, %select_n3A_663, %reduce_sum3A_664 [0] : vector<16x1400xf32> to vector<1400xf32>
      %broadcast_in_dim3A_666 = vector.shape_cast %reduce_sum3A_665 : vector<1400xf32> to vector<1x1400xf32>
      %neg3A_667 = arith.constant 0.000000e+00 : f32
      %neg3A_668 = vector.broadcast %neg3A_667 : f32 to vector<1x1400xf32>
      %neg3A_669 = arith.subf %neg3A_668, %broadcast_in_dim3A_666 : vector<1x1400xf32>
      %eq3A_670 = vector.broadcast %add3A_636 : vector<1x1400xf32> to vector<16x1400xf32>
      %eq3A_671 = arith.cmpf oeq, %convert_element_type3A, %eq3A_670 : vector<16x1400xf32>
      %jit3A_672 = arith.constant 0.000000e+00 : f32
      %broadcast_in_dim3A_673 = vector.broadcast %jit3A_672 : f32 to vector<16x1400xf32>
      %select_n3A_674 = arith.select %eq3A_671, %sub3A_658, %broadcast_in_dim3A_673 : vector<16x1400xi1>, vector<16x1400xf32>
      %reduce_sum3A_675 = arith.constant dense<0.000000e+00> : vector<1400xf32>
      %reduce_sum3A_676 = vector.multi_reduction <add>, %select_n3A_674, %reduce_sum3A_675 [0] : vector<16x1400xf32> to vector<1400xf32>
      %broadcast_in_dim3A_677 = vector.shape_cast %reduce_sum3A_676 : vector<1400xf32> to vector<1x1400xf32>
      %neg3A_678 = arith.constant 0.000000e+00 : f32
      %neg3A_679 = vector.broadcast %neg3A_678 : f32 to vector<1x1400xf32>
      %neg3A_680 = arith.subf %neg3A_679, %broadcast_in_dim3A_677 : vector<1x1400xf32>
      %mul3A_681 = arith.mulf %neg3A_669, %min3A_643 : vector<1x1400xf32>
      %add3A_682 = arith.addf %add3A_626, %mul3A_681 : vector<1x1400xf32>
      %mul3A_683 = arith.mulf %neg3A_680, %min3A_650 : vector<1x1400xf32>
      %add3A_684 = arith.addf %add3A_682, %mul3A_683 : vector<1x1400xf32>
      %mul3A_685 = arith.constant 2.500000e-01 : f32
      %mul3A_686 = vector.broadcast %mul3A_685 : f32 to vector<1x1400xf32>
      %mul3A_687 = arith.mulf %add3A_684, %mul3A_686 : vector<1x1400xf32>
      %jit3A_688 = arith.constant 1.000000e+02 : f32
      %min3A_689 = vector.broadcast %jit3A_688 : f32 to vector<1x1400xf32>
      %min3A_690 = arith.minimumf %min3A_689, %mul3A_687 : vector<1x1400xf32>
      %mul3A_691 = arith.mulf %min3A_690, %max3A_322 : vector<1x1400xf32>
      %mul3A_692 = arith.mulf %mul3A_691, %convert_element_type3A_283 : vector<1x1400xf32>
      %reduce_sum3A_693 = vector.shape_cast %mul3A_692 : vector<1x1400xf32> to vector<1x1x1400xf32>
      %reduce_sum3A_694 = arith.constant dense<0.000000e+00> : vector<1xf32>
      %reduce_sum3A_695 = vector.multi_reduction <add>, %reduce_sum3A_693, %reduce_sum3A_694 [1, 2] : vector<1x1x1400xf32> to vector<1xf32>
      %reduce_sum3A_696 = vector.shape_cast %reduce_sum3A_695 : vector<1xf32> to vector<1x1x1xf32>
      %reduce_sum3A_697 = vector.extract %reduce_sum3A_696[0, 0, 0] : f32 from vector<1x1x1xf32>
      %get3A_698 = arith.constant 0 : index
      %get3A_699 = arith.constant 0 : index
      %get3A_700 = vector.load %arg7[%get3A_698, %get3A_699] : memref<1x128xf32, #tpu.memory_space<vmem>>, vector<1x128xf32>
      %eq3A_701 = arith.constant 0 : i32
      %eq3A_702 = vector.broadcast %eq3A_701 : i32 to vector<1x128xi32>
      %eq3A_703 = arith.cmpi eq, %iota3A_98, %eq3A_702 : vector<1x128xi32>
      %jit3A_704 = arith.constant 0.000000e+00 : f32
      %broadcast_in_dim3A_705 = vector.broadcast %reduce_sum3A_327 : f32 to vector<1x128xf32>
      %broadcast_in_dim3A_706 = vector.broadcast %jit3A_704 : f32 to vector<1x128xf32>
      %select_n3A_707 = arith.select %eq3A_703, %broadcast_in_dim3A_705, %broadcast_in_dim3A_706 : vector<1x128xi1>, vector<1x128xf32>
      %eq3A_708 = arith.constant 1 : i32
      %eq3A_709 = vector.broadcast %eq3A_708 : i32 to vector<1x128xi32>
      %eq3A_710 = arith.cmpi eq, %iota3A_98, %eq3A_709 : vector<1x128xi32>
      %neg3A_711 = arith.constant 0.000000e+00 : f32
      %neg3A_712 = arith.subf %neg3A_711, %reduce_sum3A_341 : f32
      %jit3A_713 = arith.constant 0.000000e+00 : f32
      %broadcast_in_dim3A_714 = vector.broadcast %neg3A_712 : f32 to vector<1x128xf32>
      %broadcast_in_dim3A_715 = vector.broadcast %jit3A_713 : f32 to vector<1x128xf32>
      %select_n3A_716 = arith.select %eq3A_710, %broadcast_in_dim3A_714, %broadcast_in_dim3A_715 : vector<1x128xi1>, vector<1x128xf32>
      %add3A_717 = arith.addf %select_n3A_707, %select_n3A_716 : vector<1x128xf32>
      %eq3A_718 = arith.constant 2 : i32
      %eq3A_719 = vector.broadcast %eq3A_718 : i32 to vector<1x128xi32>
      %eq3A_720 = arith.cmpi eq, %iota3A_98, %eq3A_719 : vector<1x128xi32>
      %jit3A_721 = arith.constant 0.000000e+00 : f32
      %broadcast_in_dim3A_722 = vector.broadcast %reduce_sum3A_424 : f32 to vector<1x128xf32>
      %broadcast_in_dim3A_723 = vector.broadcast %jit3A_721 : f32 to vector<1x128xf32>
      %select_n3A_724 = arith.select %eq3A_720, %broadcast_in_dim3A_722, %broadcast_in_dim3A_723 : vector<1x128xi1>, vector<1x128xf32>
      %add3A_725 = arith.addf %add3A_717, %select_n3A_724 : vector<1x128xf32>
      %eq3A_726 = arith.constant 3 : i32
      %eq3A_727 = vector.broadcast %eq3A_726 : i32 to vector<1x128xi32>
      %eq3A_728 = arith.cmpi eq, %iota3A_98, %eq3A_727 : vector<1x128xi32>
      %jit3A_729 = arith.constant 0.000000e+00 : f32
      %broadcast_in_dim3A_730 = vector.broadcast %reduce_sum3A_697 : f32 to vector<1x128xf32>
      %broadcast_in_dim3A_731 = vector.broadcast %jit3A_729 : f32 to vector<1x128xf32>
      %select_n3A_732 = arith.select %eq3A_728, %broadcast_in_dim3A_730, %broadcast_in_dim3A_731 : vector<1x128xi1>, vector<1x128xf32>
      %add3A_733 = arith.addf %add3A_725, %select_n3A_732 : vector<1x128xf32>
      %add3A_734 = arith.addf %get3A_700, %add3A_733 : vector<1x128xf32>
      %swap3A_735 = arith.constant 0 : index
      %swap3A_736 = arith.constant 0 : index
      %swap3A_737 = vector.load %arg7[%swap3A_735, %swap3A_736] : memref<1x128xf32, #tpu.memory_space<vmem>>, vector<1x128xf32>
      tpu.vector_store %arg7[%swap3A_735, %swap3A_736], %add3A_734 {strides = array<i32>} : memref<1x128xf32, #tpu.memory_space<vmem>>, vector<1x128xf32>,
    }
    %scan3A_206 = arith.constant 6 : i32
    return
  }
  func.func @transform_0(%arg0: i32) -> (i32, i32, i32, i32) {
    %c0_i32 = arith.constant 0 : i32
    %c0_i32_0 = arith.constant 0 : i32
    %c0_i32_1 = arith.constant 0 : i32
    %c0_i32_2 = arith.constant 0 : i32
    return %arg0, %c0_i32, %c0_i32_0, %c0_i32_1 : i32, i32, i32, i32
  }
  func.func @transform_1(%arg0: i32) -> (i32, i32, i32, i32) {
    %c0_i32 = arith.constant 0 : i32
    %c0_i32_0 = arith.constant 0 : i32
    %c0_i32_1 = arith.constant 0 : i32
    %c0_i32_2 = arith.constant 0 : i32
    return %arg0, %c0_i32, %c0_i32_0, %c0_i32_1 : i32, i32, i32, i32
  }
  func.func @transform_2(%arg0: i32) -> (i32, i32, i32) {
    %c0_i32 = arith.constant 0 : i32
    %c0_i32_0 = arith.constant 0 : i32
    %c0_i32_1 = arith.constant 0 : i32
    %c0_i32_2 = arith.constant 0 : i32
    return %c0_i32, %c0_i32_0, %c0_i32_1 : i32, i32, i32
  }
  func.func @transform_3(%arg0: i32) -> (i32, i32, i32) {
    %c0_i32 = arith.constant 0 : i32
    %c0_i32_0 = arith.constant 0 : i32
    %c0_i32_1 = arith.constant 0 : i32
    return %arg0, %c0_i32, %c0_i32_0 : i32, i32, i32
  }
  func.func @transform_4(%arg0: i32) -> (i32, i32, i32) {
    %c0_i32 = arith.constant 0 : i32
    %c0_i32_0 = arith.constant 0 : i32
    %c0_i32_1 = arith.constant 0 : i32
    return %arg0, %c0_i32, %c0_i32_0 : i32, i32, i32
  }
  func.func @transform_5(%arg0: i32) -> (i32, i32, i32) {
    %c0_i32 = arith.constant 0 : i32
    %c0_i32_0 = arith.constant 0 : i32
    %c0_i32_1 = arith.constant 0 : i32
    return %arg0, %c0_i32, %c0_i32_0 : i32, i32, i32
  }
  func.func @transform_6(%arg0: i32) -> (i32, i32) {
    %c0_i32 = arith.constant 0 : i32
    %c0_i32_0 = arith.constant 0 : i32
    %c0_i32_1 = arith.constant 0 : i32
    return %c0_i32, %c0_i32_0 : i32, i32
  }
}

</mosaic_0001>

<sc_bundles>
// kernel: sparse-core-data-format-call.1.cloned.1.call-start
scs
called_computation.1_lowered:
.L_overlay_start_0:
0x0: {  	s1 =	sld [smem:$0x3FD9]  }
0x1: {  	s2 =	sld [smem:$0x3FFE];
	_ =	sdelay $0x1  }
0x2: {  	s3 =	srdreg.scid  }
0x3: {  	s0 =	sand.u32 $0x1, s3  }
0x4: {  	s17 =	sshll.u32 s0, $0xA;
	s1 =	sadd.s32 s2, s1  }
0x5: {  	s1 =	sadd.s32 s1, s17  }
0x6: {  	[smem:$0x3FC2] =	sst s1  }
0x7: {  	_ = 	snop  }
0x8: {  	(tm) =	ssettm $0x1  }
0x9: {  	s18 =	sld [smem:$0x3FFB];
	_ =	sdelay $0x3  }
0xa: {  	_ =	strace s18  }
0xb: {  	s1 =	sld [smem:$0x3FFC];
	_ =	sdelay $0x3  }
0xc: {  	_ =	strace s1  }
0xd: {  	s1 =	sld [smem:$0x3FFD];
	_ =	sdelay $0x3  }
0xe: {  	_ =	strace s1  }
0xf: {  	_ =	strace $0x8FFFFFFF  }
0x10: {  	s19 =	sld [smem:$0x3FDB];
	_ =	sdelay $0x1  }
0x11: {  	s20 =	simm.s32 $_scs_section_size  }
0x12: {  	s4 =	simm.s32 $_size__tile_overlayer_lowered;
	s5 =	simm.s32 $_tile_overlayer_lowered  }
0x13: {  	s23 =	simm.s32 $0x1BFF;
	s22 =	sshll.u32 s5, $0x1;
	s1 =	sadd.s32 s20, s19  }
0x14: {  	s6 =	simm.s32 $0x0;
	s21 =	sshll.u32 s4, $0x1;
	s4 =	sadd.s32 s22, s1  }
0x15: {  	[timem:s6], [sflag:s23] =	dma.local [hbm:s4], s21  }
0x16: {  	_ =	swait.ge [sflag:s23], s21  }
0x17: {  	s2 =	ssub.s32 $0x0, s21;
	[sflag:s23] =	ssyncset.done $0x0  }
0x18: {  	[sflag:s23] =	ssyncadd.s32 s2;
	_ =	sdelay $0x1  }
0x19: {  	s24 =	simm.s32 $0x1B8B  }
0x1a: {  	_ =	swait.ge [sflag:s24], $0x1  }
0x1b: {  	[sflag:s24] =	ssyncset.done $0x0  }
0x1c: {  	s26 =	simm.s32 $0x1B8E;
	s25 =	sld [smem:$0x3FFE];
	[sflag:s24] =	ssyncadd.s32 $0xFFFFFFFF  }
0x1d: {  	s27 =	simm.s32 $execute0_lowered;
	[smem:$0x3FD2] =	sst s26  }
0x1e: {  	s4 =	sshll.u32 s27, $0x1;
	_ =	strace $0x80000046;
	[dreg:$0x1] =	wrdreg $0xFFFFFFFF  }
0x1f: {  	s28 =	simm.s32 $_size_execute0_lowered;
	s1 =	sadd.s32 s1, s4;
	[dreg:$0x0] =	wrdreg $0x0  }
0x20: {  	s4 =	sshll.u32 s28, $0x1;
	[dreg:$0x2] =	wrdreg s1  }
0x21: {  	[dreg:$0x3] =	wrdreg s4  }
0x22: {  	[dreg:$0x4] =	wrdreg $0xC0  }
0x23: {  	_ =	task [dreg:s6], $0x5FFFF  }
0x24: {  	[dreg:$0x1] =	wrdreg $0xFFFFFFFF  }
0x25: {  	[dreg:$0x0] =	wrdreg $0x60  }
0x26: {  	[dreg:$0x2] =	wrdreg s25  }
0x27: {  	[dreg:$0x3] =	wrdreg $0xA  }
0x28: {  	_ =	task.clear_ibuf [dreg:s6], $0x4FFFF;
	_ =	strace $0x90000046  }
0x29: {  	s29 =	simm.s32 $0xA;
	_ =	strace $0x80000048  }
0x2a: {  	_ =	swait.ge [sflag:s29], $0x1  }
0x2b: {  	[sflag:s29] =	ssyncadd.s32 $0xFFFFFFFF  }
0x2c: {  	_ =	strace $0x90000048  }
0x2d: {  	_ =	sfence  }
0x2e: {  	s30 =	sld [smem:$0x0];
	_ =	sdelay $0x2  }
0x2f: {  	s31 =	sshll.u32 s3, $0xD;
	s3 =	sshrl.u32 s3, $0x2  }
0x30: {  	s2 =	sand.u32 $0x4000, s31;
	s1 =	sadd.s32 s3, s30  }
0x31: {  	s0 =	sor.u32 s2, s0;
	s1 =	sshll.u32 s1, $0x11  }
0x32: {  	s0 =	sor.u32 s1, s0  }
0x33: {  	s0 =	sadd.s32 $0x8F2B, s0  }
0x34: {  	[sflag:s0] =	ssyncadd.remote.s32 $0x1  }
0x35: {  	_ =	sfence.sel $0xFFFF  }
0x36: {  	[dreg:$0x0] =	wrdreg $0xFFFFFFFF;
	(pc) =	sbr.abs _section_cstart, $3  }
0x37: {  	[dreg:$0x1] =	wrdreg $0xFFFFFFFF  }
0x38: {  	_ =	task.clear_ibuf [dreg:s6], $0x2FFFF;
	_ =	strace $0x9FFFFFFF  }
0x39: {  	(tm) =	ssettm $0x7FFFFFFF  }
tec
execute0_lowered:
.L_overlay_start_1:
0x0: {  	(tag) =	ssettag $0x1  }
0x1: {  	s2 =	rddreg [dreg:$0x0]  }
0x2: {  	s0 =	rddreg [dreg:$0x1];
	s1 =	srdreg.scid;
	_ =	strace $0x80000047  }
0x3: {  	s5 =	simm.s32 $0x1;
	s6 =	simm.s32 $0x16;
	s7 =	simm.s32 $0x2  }
0x4: {  	s16 =	simm.s32 $0x0;
	s8 =	simm.s32 $0x2C00;
	s14 =	simm.s32 $0x0  }
0x5: {  	s17 =	simm.s32 $0x0;
	s15 =	simm.s32 $0x0;
	s9 =	simm.s32 $0x0  }
.Ltmp0:
0x6: {  	s11 =	simm.s32 $0x0;
	s4 =	sshll.u32 s1, $0x1;
	(pc) =	sbr.rel .LBB1_1-.Ltmp0, $4  }
0x7: {  	s12 =	stileid.u32;
	s13 =	simm.s32 $0x0;
	s4 =	sand.u32 $0x2, s4  }
0x8: {  	s1 =	sadd.s32 $0x1200, s2;
	s3 =	sadd.s32 $0x161200, s2;
	p0 =	seq.s32 s4, $0x0  }
0x9: {  	[sflag:s5] =	ssyncpa.u1 $0x0;
	s2 =	stileid.u32;
	s6 =	simm.s32 @!p0 $0xB  }
0xa: {  	[sflag:s7] =	ssyncpa.u1 $0x0;
	s10 =	smov.u32 s4;
	s7 =	sadd.s32 $0x1, s6  }
.LBB1_7:
0xb: {  	s18 =	sadd.s32 $0x80, s9  }
0xc: {  	s14 =	sadd.s32 $0x4, s10;
	s19 =	smov.u32 s10;
	p1 =	sgt.s32 s18, $0x577  }
0xd: {  	s19 =	smov.u32 @p1 s14  }
0xe: {  	s20 =	smov.u32 s11;
	s14 =	sadd.s32 $0x40, s11;
	p2 =	sgt.s32 s19, $0x5  }
0xf: {  	s20 =	smov.u32 @p2 s14  }
0x10: {  	s21 =	smov.u32 s12;
	s14 =	sadd.s32 $0x10, s12;
	p3 =	sgt.s32 s20, $0x3F  }
0x11: {  	s21 =	smov.u32 @p3 s14  }
0x12: {  	p0 =	slt.u32 s13, $0x2;
	s18 =	simm.s32 @p1 $0x0;
	p1 =	sgt.s32 s21, $0xF  }
0x13: {  	s22 =	simm.s32 @!p0 $0x2;
	s21 =	smov.u32 @p1 s2;
	p1 =	sne.s32 s13, s7  }
.Ltmp1:
0x14: {  	s16 =	smov.u32 s9;
	_ =	swait.ge @!p0 [sflag:s22], $0x4000;
	(pc) =	sbr.rel @!p1 .LBB1_8-.Ltmp1, $4  }
0x15: {  	s17 =	smov.u32 s11;
	s15 =	smov.u32 s12;
	[sflag:s22] =	ssyncset.done @!p0 $0x0  }
0x16: {  	s9 =	smov.u32 s18;
	s19 =	smov.u32 @p2 s4;
	[sflag:s22] =	ssyncadd.s32 @!p0 $0xFFFFC000  }
0x17: {  	s20 =	simm.s32 @p3 $0x0;
	s14 =	smov.u32 s10;
	s10 =	smov.u32 s19  }
0x18: {  	s11 =	smov.u32 s20;
	s13 =	sadd.s32 $0x1, s13;
	s12 =	smov.u32 s21  }
.LBB1_1:
0x19: {  	p0 =	sge.u32 s13, s6  }
0x1a: {  	s18 =	sshrl.u32 @!p0 s10, $0x3  }
0x1b: {  	s19 =	sshll.u32 @!p0 s9, $0x3;
	s18 =	smul.u32 @!p0 $0x2C00, s18  }
0x1c: {  	s20 =	sshll.u32 @!p0 s10, $0x7;
	s19 =	sand.u32 @!p0 $0xFFFFFC00, s19  }
0x1d: {  	s18 =	sadd.s32 @!p0 s18, s19;
	s19 =	sand.u32 @!p0 $0x380, s20  }
0x1e: {  	s20 =	sand.u32 @!p0 $0x7F, s9;
	s18 =	sor.u32 @!p0 s19, s18  }
0x1f: {  	s19 =	sor.u32 @!p0 s20, s18  }
0x20: {  	s20 =	smulhi.u32 @!p0 $0xBA2E8BA3, s19  }
0x21: {  	s18 =	smulhi.u32 @!p0 $0xBA2E8BA3, s18  }
0x22: {  	s31 =	sadd.s32 $0xFFFFFFFF, s13;
	s22 =	smul.u32 @!p0 $0x16000, s12;
	s20 =	sshrl.u32 @!p0 s20, $0xA  }
0x23: {  	s21 =	sxor.u32 @!p0 $0xFFFFFFFF, s13;
	s18 =	sshrl.u32 @!p0 s18, $0xA;
	s20 =	smul.u32 @!p0 $0x580, s20  }
0x24: {  	s23 =	smul.u32 @!p0 $0x580, s11;
	s21 =	sshll.u32 @!p0 s21, $0xE;
	s18 =	sand.u32 @!p0 $0x7, s18  }
0x25: {  	s18 =	smul.u32 @!p0 $0xB0, s18;
	s19 =	ssub.s32 @!p0 s19, s20;
	s20 =	sadd.s32 @!p0 s1, s22  }
0x26: {  	s21 =	sand.u32 @!p0 $0x4000, s21;
	s20 =	sadd.s32 @!p0 s23, s20;
	s22 =	sand.u32 @!p0 $0x7, s19  }
0x27: {  	s19 =	sshrl.u32 @!p0 s19, $0x3;
	s18 =	sadd.s32 @!p0 s18, s20;
	s20 =	sshll.u32 @!p0 s22, $0x12  }
0x28: {  	s18 =	sadd.s32 @!p0 s19, s18;
	s19 =	sor.u32 @!p0 $0x100, s20;
	s20 =	simm.s32 @!p0 $0x2C00  }
0x29: {  	[tilespmem:s21], [sflag:$0x1] =	stream.strided.gather @!p0 [hbm4b:s18+s19], $0x4000, s20, s19, $0x38;
	[tilespmem:$0x10000] =	vst v63  }
0x2a: {  	p0 =	sge.u32 s31, s6  }
.Ltmp2:
0x2b: {  	_ = 	snop;
	(pc) =	sbr.rel @p0 .LBB1_7-.Ltmp2, $1  }
0x2c: {  	_ =	sdelay $0x3  }
0x2d: {  	_ =	swait.ge [sflag:s5], $0x4000;
	s18 =	sshll.u32 s13, $0xE  }
0x2e: {  	[sflag:s5] =	ssyncset.done $0x0;
	s19 =	sand.u32 $0x4000, s18  }
0x2f: {  	s20 =	simm.s32 $0x0;
	[sflag:s5] =	ssyncadd.s32 $0xFFFFC000;
	s18 =	sor.u32 $0x8000, s19  }
.LBB1_3:
0x30: {  	s21 =	sshll.u32 s20, $0x8  }
0x31: {  	s21 =	sand.u32 $0x3FFFFF00, s21  }
0x32: {  	s22 =	sshll.u32 s20, $0x7;
	s21 =	sadd.s32 s21, s19  }
0x33: {  	s22 =	sand.u32 $0x3FFFFF80, s22;
	v0 =	vmov s21  }
0x34: {  	s22 =	sadd.s32 s22, s18  }
0x35: {  	p0 =	por $0x1, $0x1;
	v1 =	vmov s22;
	s21 =	simm.s32 $0x0  }
.LBB1_4:
0x36: {  	s22 =	sshll.u32 s21, $0x7  }
0x37: {  	s22 =	sand.u32 $0x3FFFFF80, s22  }
0x38: {  	v2 =	vld.idx.msk [tilespmem:v0+s22+$0x0 ss:$0x1], $0xffff  }
0x39: {  	v3 =	vld.idx.msk [tilespmem:v0+s22+$0x10 ss:$0x1], $0xffff  }
0x3a: {  	v4 =	vld.idx.msk [tilespmem:v0+s22+$0x20 ss:$0x1], $0xffff  }
0x3b: {  	s31 =	sshll.u32 s21, $0xD;
	v5 =	vld.idx.msk [tilespmem:v0+s22+$0x30 ss:$0x1], $0xffff  }
0x3c: {  	s21 =	sand.u32 $0x3FFFE000, s31;
	v6 =	vld.idx.msk [tilespmem:v0+s22+$0x40 ss:$0x1], $0xffff  }
0x3d: {  	v63 =	vld.idx.msk [tilespmem:v0+s22+$0x70 ss:$0x1], $0xffff;
	[tilespmem:v1+s21+$0x0 ss:$0x1] =	vst.idx.msk $0xffff, v2  }
0x3e: {  	v2 =	vld.idx.msk [tilespmem:v0+s22+$0x50 ss:$0x1], $0xffff;
	[tilespmem:v1+s21+$0x10 ss:$0x1] =	vst.idx.msk $0xffff, v3  }
0x3f: {  	p1 =	por p0, p0;
	v3 =	vld.idx.msk [tilespmem:v0+s22+$0x60 ss:$0x1], $0xffff;
	[tilespmem:v1+s21+$0x20 ss:$0x1] =	vst.idx.msk $0xffff, v4  }
.Ltmp3:
0x40: {  	[tilespmem:v1+s21+$0x30 ss:$0x1] =	vst.idx.msk $0xffff, v5;
	(pc) =	sbr.rel @p1 .LBB1_4-.Ltmp3, $4  }
0x41: {  	[tilespmem:v1+s21+$0x40 ss:$0x1] =	vst.idx.msk $0xffff, v6  }
0x42: {  	[tilespmem:v1+s21+$0x70 ss:$0x1] =	vst.idx.msk $0xffff, v63  }
0x43: {  	[tilespmem:v1+s21+$0x50 ss:$0x1] =	vst.idx.msk $0xffff, v2  }
0x44: {  	p0 =	por $0x0, $0x0;
	[tilespmem:v1+s21+$0x60 ss:$0x1] =	vst.idx.msk $0xffff, v3;
	s21 =	simm.s32 $0x1  }
0x45: {  	s20 =	sadd.s32 $0x1, s20  }
0x46: {  	p0 =	sne.s32 s20, $0x40  }
.Ltmp4:
0x47: {  	_ = 	snop;
	(pc) =	sbr.rel @p0 .LBB1_3-.Ltmp4, $1  }
0x48: {  	_ =	sdelay $0x3  }
0x49: {  	s19 =	sshrl.u32 s17, $0x3  }
0x4a: {  	s20 =	sshll.u32 s16, $0x3;
	s19 =	smul.u32 $0x2C00, s19  }
0x4b: {  	s28 =	sshll.u32 s17, $0x7;
	s20 =	sand.u32 $0xFFFFFC00, s20  }
0x4c: {  	s17 =	sand.u32 $0x380, s28;
	s19 =	sadd.s32 s19, s20  }
0x4d: {  	s29 =	sand.u32 $0x7F, s16;
	s17 =	sor.u32 s17, s19  }
0x4e: {  	s16 =	sor.u32 s29, s17;
	s17 =	smulhi.u32 $0xBA2E8BA3, s17  }
0x4f: {  	s30 =	smulhi.u32 $0xBA2E8BA3, s16  }
0x50: {  	s15 =	smul.u32 $0x10800, s15  }
0x51: {  	s14 =	smul.u32 $0x2C00, s14;
	s17 =	sshrl.u32 s17, $0xA;
	s19 =	sshrl.u32 s30, $0xA  }
0x52: {  	s17 =	sand.u32 $0x3F, s17;
	s19 =	smul.u32 $0x580, s19  }
0x53: {  	s17 =	smul.u32 $0xB0, s17  }
.Ltmp5:
0x54: {  	s15 =	sadd.s32 s3, s15;
	s16 =	ssub.s32 s16, s19;
	(pc) =	sbr.rel .LBB1_7-.Ltmp5, $4  }
0x55: {  	s14 =	sadd.s32 s14, s15;
	s31 =	sand.u32 $0x7, s16  }
0x56: {  	s14 =	sadd.s32 s17, s14;
	s16 =	sshrl.u32 s16, $0x3;
	s15 =	sshll.u32 s31, $0x12  }
0x57: {  	s14 =	sadd.s32 s16, s14;
	s15 =	sor.u32 $0x400, s15  }
0x58: {  	[hbm4b:s14+s15] =	stream.strided.scatter [tilespmem:s18], [sflag:$0x2], $0x4000, s8, s15, $0x38;
	[tilespmem:$0x10000] =	vst v63  }
.LBB1_8:
0x59: {  	_ =	sfence.sel $0x180000  }
0x5a: {  	s1 =	simm.s32 $0x1;
	[bflag:$0x0] =	sbarrier.arrive $0xFFFF  }
0x5b: {  	s31 =	simm.s32 $0x2;
	[sflag:s1] =	ssyncpa.u1 $0x1  }
0x5c: {  	[sflag:s31] =	ssyncpa.u1 $0x1  }
0x5d: {  	p0 =	sne.s32 s2, $0x0;
	_ =	strace $0x90000047  }
0x5e: {  	s0 =	sadd.s32 @!p0 $0x100000, s0;
	[bflag:$0x2] =	sbarrier.arrive $0xFFFF  }
0x5f: {  	[sflag:s0] =	ssyncadd.tile.s32 @!p0 $0x1;
	_ =	shalt  }
.Lfunc_end1:
_tile_overlayer_lowered:
.L_overlay_start_2:
0x60: {  	(tag) =	ssettag $0x2  }
0x61: {  	s0 =	rddreg [dreg:$0x0];
	s2 =	stileid.u32  }
0x62: {  	s1 =	rddreg [dreg:$0x1];
	p0 =	sne.s32 s2, $0x0  }
0x63: {  	s3 =	rddreg [dreg:$0x2];
	[bflag:$0x3] =	sbarrier.arrive $0xFFFF;
	s2 =	simm.s32 @!p0 $0x1C01  }
0x64: {  	[timem:s3], [sflag:s2] =	dma.local @!p0 [hbm:s0], s1  }
0x65: {  	s0 =	simm.s32 @!p0 $0x1  }
0x66: {  	_ =	swait.ge @!p0 [sflag:s0], s1  }
0x67: {  	s1 =	ssub.s32 @!p0 $0x0, s1;
	[sflag:s0] =	ssyncset.done @!p0 $0x0  }
0x68: {  	[sflag:s0] =	ssyncadd.s32 @!p0 s1  }
0x69: {  	[bflag:$0x3] =	sbarrier.arrive $0xFFFF  }
0x6a: {  	_ =	shalt  }

// kernel: sparse-core-data-format-call.cloned.1.call-start
scs
called_computation_lowered:
.L_overlay_start_0:
0x0: {  	s2 =	sld [smem:$0x3FD9]  }
0x1: {  	s3 =	sld [smem:$0x3FFE];
	_ =	sdelay $0x1  }
0x2: {  	s1 =	srdreg.scid  }
0x3: {  	s0 =	sand.u32 $0x1, s1  }
0x4: {  	s18 =	sshll.u32 s0, $0xA;
	s2 =	sadd.s32 s3, s2  }
0x5: {  	s2 =	sadd.s32 s2, s18  }
0x6: {  	[smem:$0x3FC2] =	sst s2  }
0x7: {  	_ = 	snop  }
0x8: {  	(tm) =	ssettm $0x1  }
0x9: {  	s19 =	sld [smem:$0x3FFB];
	_ =	sdelay $0x3  }
0xa: {  	_ =	strace s19  }
0xb: {  	s2 =	sld [smem:$0x3FFC];
	_ =	sdelay $0x3  }
0xc: {  	_ =	strace s2  }
0xd: {  	s2 =	sld [smem:$0x3FFD];
	_ =	sdelay $0x3  }
0xe: {  	_ =	strace s2  }
0xf: {  	_ =	strace $0x8FFFFFFF  }
0x10: {  	s20 =	sld [smem:$0x3FDB];
	_ =	sdelay $0x1  }
0x11: {  	s21 =	simm.s32 $_scs_section_size  }
0x12: {  	s4 =	simm.s32 $_size__tile_overlayer_lowered;
	s5 =	simm.s32 $_tile_overlayer_lowered  }
0x13: {  	s6 =	simm.s32 $0x1BFF;
	s22 =	sshll.u32 s5, $0x1;
	s3 =	sadd.s32 s21, s20  }
0x14: {  	s23 =	simm.s32 $0x0;
	s4 =	sshll.u32 s4, $0x1;
	s5 =	sadd.s32 s22, s3  }
0x15: {  	[timem:s23], [sflag:s6] =	dma.local [hbm:s5], s4  }
0x16: {  	_ =	swait.ge [sflag:s6], s4  }
0x17: {  	s4 =	ssub.s32 $0x0, s4;
	[sflag:s6] =	ssyncset.done $0x0  }
0x18: {  	[sflag:s6] =	ssyncadd.s32 s4;
	_ =	sdelay $0x1  }
0x19: {  	s24 =	simm.s32 $0x1B8B  }
0x1a: {  	_ =	swait.ge [sflag:s24], $0x1  }
0x1b: {  	[sflag:s24] =	ssyncset.done $0x0  }
0x1c: {  	[sflag:s24] =	ssyncadd.s32 $0xFFFFFFFF  }
0x1d: {  	s4 =	sld [smem:$0x0]  }
0x1e: {  	s5 =	sand.u32 $0xFFFFFFFE, s1  }
0x1f: {  	p0 =	sne.s32 s1, s5  }
0x20: {  	s5 =	sshll.u32 @p0 s5, $0xE  }
0x21: {  	s5 =	sadd.s32 @p0 $0x11B8D, s5;
	s6 =	sshll.u32 @p0 s4, $0x11  }
0x22: {  	s5 =	sor.u32 @p0 s6, s5  }
0x23: {  	[sflag:s5] =	ssyncadd.remote.s32 @p0 $0x1;
	_ =	sdelay $0x1  }
0x24: {  	s5 =	simm.s32 @p0 $0x1B8D  }
0x25: {  	_ =	swait.eq @p0 [sflag:s5], $0x1  }
0x26: {  	[sflag:s5] =	ssyncadd.s32 @p0 $0xFFFFFFFF  }
0x27: {  	s6 =	sshll.u32 @!p0 s1, $0xE  }
0x28: {  	s6 =	sor.u32 @!p0 $0x4000, s6;
	s5 =	simm.s32 @!p0 $0x1B8D  }
0x29: {  	s4 =	sshll.u32 @!p0 s4, $0x11;
	s6 =	sadd.s32 @!p0 $0x11B8D, s6;
	_ =	swait.eq @!p0 [sflag:s5], $0x1  }
0x2a: {  	s4 =	sor.u32 @!p0 s4, s6;
	[sflag:s5] =	ssyncadd.s32 @!p0 $0xFFFFFFFF  }
0x2b: {  	s26 =	simm.s32 $0x1B8E;
	s25 =	sld [smem:$0x3FFE];
	[sflag:s4] =	ssyncadd.remote.s32 @!p0 $0x1  }
0x2c: {  	s27 =	simm.s32 $execute0_lowered;
	[smem:$0x3FD2] =	sst s26  }
0x2d: {  	s5 =	sshll.u32 s27, $0x1;
	_ =	strace $0x80000049;
	[dreg:$0x1] =	wrdreg $0xFFFFFFFF  }
0x2e: {  	s28 =	simm.s32 $_size_execute0_lowered;
	s3 =	sadd.s32 s3, s5;
	[dreg:$0x0] =	wrdreg $0x0  }
0x2f: {  	s5 =	sshll.u32 s28, $0x1;
	[dreg:$0x2] =	wrdreg s3  }
0x30: {  	[dreg:$0x3] =	wrdreg s5  }
0x31: {  	[dreg:$0x4] =	wrdreg $0xC0  }
0x32: {  	_ =	task [dreg:s23], $0x5FFFF  }
0x33: {  	[dreg:$0x1] =	wrdreg $0xFFFFFFFF  }
0x34: {  	[dreg:$0x0] =	wrdreg $0x60  }
0x35: {  	[dreg:$0x2] =	wrdreg s25  }
0x36: {  	[dreg:$0x3] =	wrdreg $0x9  }
0x37: {  	_ =	task.clear_ibuf [dreg:s23], $0x4FFFF;
	_ =	strace $0x90000049  }
0x38: {  	s29 =	simm.s32 $0x9;
	_ =	strace $0x8000004B  }
0x39: {  	_ =	swait.ge [sflag:s29], $0x1  }
0x3a: {  	[sflag:s29] =	ssyncadd.s32 $0xFFFFFFFF  }
0x3b: {  	_ =	strace $0x9000004B  }
0x3c: {  	_ =	sfence  }
0x3d: {  	s30 =	sld [smem:$0x0];
	_ =	sdelay $0x2  }
0x3e: {  	s31 =	sshll.u32 s1, $0xD;
	s1 =	sshrl.u32 s1, $0x2  }
0x3f: {  	s4 =	sand.u32 $0x4000, s31;
	s1 =	sadd.s32 s1, s30  }
0x40: {  	s0 =	sor.u32 s4, s0;
	s1 =	sshll.u32 s1, $0x11  }
0x41: {  	s0 =	sor.u32 s1, s0  }
0x42: {  	s0 =	sadd.s32 $0x8F2B, s0  }
0x43: {  	[sflag:s0] =	ssyncadd.remote.s32 $0x1  }
0x44: {  	_ =	sfence.sel $0xFFFF  }
0x45: {  	[dreg:$0x0] =	wrdreg $0xFFFFFFFF;
	(pc) =	sbr.abs _section_cstart, $3  }
0x46: {  	[dreg:$0x1] =	wrdreg $0xFFFFFFFF  }
0x47: {  	_ =	task.clear_ibuf [dreg:s23], $0x2FFFF;
	_ =	strace $0x9FFFFFFF  }
0x48: {  	(tm) =	ssettm $0x7FFFFFFF  }
0x49: {  	_ =	shalt  }
tec
execute0_lowered:
.L_overlay_start_1:
0x0: {  	(tag) =	ssettag $0x1  }
0x1: {  	s2 =	stileid.u32;
	s0 =	srdreg.scid  }
0x2: {  	s4 =	rddreg [dreg:$0x0];
	_ =	strace $0x8000004A;
	s13 =	simm.s32 $0x1  }
0x3: {  	s26 =	simm.s32 $0x2;
	s29 =	simm.s32 $0x0;
	s30 =	simm.s32 $0x0  }
0x4: {  	s31 =	simm.s32 $0x0;
	s1 =	sand.u32 $0x7, s2;
	s2 =	sshll.u32 s2, $0x4  }
0x5: {  	s0 =	sshll.u32 s0, $0x8;
	s17 =	sadd.s32 $0x269200, s4;
	s18 =	sadd.s32 $0x421200, s4  }
0x6: {  	s19 =	sadd.s32 $0x284A00, s4;
	s20 =	sadd.s32 $0x2A0200, s4;
	[dreg:$0x2] =	wrdreg s17  }
0x7: {  	s21 =	sadd.s32 $0x2BBA00, s4;
	s22 =	sadd.s32 $0x2D7200, s4;
	[dreg:$0x3] =	wrdreg s18  }
0x8: {  	s23 =	sadd.s32 $0x2F2A00, s4;
	s24 =	sadd.s32 $0x30E200, s4;
	[dreg:$0x4] =	wrdreg s19  }
0x9: {  	s25 =	sadd.s32 $0x329A00, s4;
	s15 =	sadd.s32 $0x345200, s4;
	[dreg:$0x5] =	wrdreg s20  }
0xa: {  	[sflag:s13] =	ssyncpa.u1 $0x0;
	s16 =	sadd.s32 $0x360A00, s4;
	[dreg:$0x6] =	wrdreg s21  }
0xb: {  	s0 =	sor.u32 s2, s0;
	s2 =	ssub.s32 $0x6, s1;
	[dreg:$0x7] =	wrdreg s22  }
0xc: {  	[dreg:$0x8] =	wrdreg s23;
	s3 =	sand.u32 $0x180, s0;
	p0 =	sgt.s32 s2, $0x0  }
0xd: {  	[dreg:$0x9] =	wrdreg s24;
	s2 =	simm.s32 @!p0 $0x0;
	s0 =	ssub.s32 $0x500, s3  }
0xe: {  	[dreg:$0xa] =	wrdreg s25;
	s2 =	sadd.s32 $0x7, s2;
	s0 =	sshrl.u32 s0, $0x9  }
0xf: {  	s17 =	sadd.s32 $0x37C200, s4;
	s2 =	sshrl.u32 s2, $0x3;
	s0 =	sadd.s32 $0x1, s0  }
0x10: {  	s18 =	sadd.s32 $0x397A00, s4;
	s19 =	sadd.s32 $0x3B3200, s4;
	s0 =	smul.u32 s0, s2  }
.Ltmp0:
0x11: {  	[sflag:s26] =	ssyncpa.u1 $0x0;
	s20 =	sadd.s32 $0x3CEA00, s4;
	(pc) =	sbr.rel .LBB1_1-.Ltmp0, $4  }
0x12: {  	s21 =	sadd.s32 $0x3EA200, s4;
	s22 =	sadd.s32 $0x405A00, s4;
	s25 =	simm.s32 $0x0  }
0x13: {  	s24 =	simm.s32 $0x2C00;
	s26 =	simm.s32 $0x0;
	s6 =	smul.u32 $0xA, s0  }
0x14: {  	s4 =	simm.s32 $0x0;
	s28 =	smov.u32 s1;
	s27 =	smov.u32 s3  }
0x15: {  	s2 =	simm.s32 $0x0;
	s0 =	simm.s32 $0x0;
	s23 =	sor.u32 $0x1, s6  }
.LBB1_9:
0x16: {  	s5 =	sadd.s32 $0x200, s27  }
0x17: {  	s0 =	sadd.s32 $0x8, s28;
	s7 =	smov.u32 s28;
	p1 =	sgt.s32 s5, $0x577  }
0x18: {  	s7 =	smov.u32 @p1 s0  }
0x19: {  	s8 =	smov.u32 s29;
	s0 =	sadd.s32 $0x8, s29;
	p2 =	sgt.s32 s7, $0x5  }
0x1a: {  	s8 =	smov.u32 @p2 s0  }
0x1b: {  	s9 =	smov.u32 s30;
	s0 =	sadd.s32 $0x10, s30;
	p3 =	sgt.s32 s8, $0x4F  }
0x1c: {  	p0 =	slt.u32 s31, $0x2;
	s9 =	smov.u32 @p3 s0  }
0x1d: {  	s25 =	smov.u32 s27;
	s5 =	smov.u32 @p1 s3;
	p1 =	sgt.s32 s9, $0xF  }
0x1e: {  	s10 =	simm.s32 @!p0 $0x2;
	s9 =	simm.s32 @p1 $0x0;
	p1 =	sne.s32 s31, s23  }
.Ltmp1:
0x1f: {  	s2 =	smov.u32 s28;
	_ =	swait.ge @!p0 [sflag:s10], $0x4000;
	(pc) =	sbr.rel @!p1 .LBB1_10-.Ltmp1, $4  }
0x20: {  	s4 =	smov.u32 s29;
	s26 =	sadd.s32 $0x4000, s26;
	[sflag:s10] =	ssyncset.done @!p0 $0x0  }
0x21: {  	s27 =	smov.u32 s5;
	s7 =	smov.u32 @p2 s1;
	[sflag:s10] =	ssyncadd.s32 @!p0 $0xFFFFC000  }
0x22: {  	s28 =	smov.u32 s7;
	s8 =	simm.s32 @p3 $0x0;
	s0 =	smov.u32 s30  }
0x23: {  	s29 =	smov.u32 s8;
	s31 =	sadd.s32 $0x1, s31;
	s30 =	smov.u32 s9  }
.LBB1_1:
0x24: {  	p0 =	sge.u32 s31, s6  }
.Ltmp2:
0x25: {  	_ = 	snop;
	(pc) =	sbr.rel @p0 .LBB1_3-.Ltmp2, $1  }
0x26: {  	_ =	sdelay $0x3  }
0x27: {  	s5 =	sshrl.u32 s28, $0x3  }
0x28: {  	s7 =	sshll.u32 s27, $0x3;
	s5 =	smul.u32 $0x2C00, s5  }
0x29: {  	s8 =	sshll.u32 s28, $0x7;
	s7 =	sand.u32 $0xFFFFFC00, s7  }
0x2a: {  	s8 =	sand.u32 $0x380, s8;
	s5 =	sadd.s32 s5, s7  }
0x2b: {  	s9 =	sand.u32 $0x7F, s27;
	s5 =	sor.u32 s8, s5  }
0x2c: {  	s8 =	sor.u32 s9, s5;
	s5 =	smulhi.u32 $0xBA2E8BA3, s5  }
0x2d: {  	s10 =	smulhi.u32 $0xBA2E8BA3, s8;
	_ =	sdelay $0x1  }
0x2e: {  	s11 =	sshrl.u32 s5, $0xA;
	s5 =	smul.u32 $0x1B800, s30;
	s7 =	sshrl.u32 s10, $0xA  }
0x2f: {  	s12 =	rddreg [dreg:$0x2];
	s9 =	smul.u32 $0x580, s7  }
0x30: {  	s10 =	sxor.u32 $0xFFFFFFFF, s31;
	s11 =	sand.u32 $0x7, s11;
	s7 =	smul.u32 $0x580, s29  }
0x31: {  	s9 =	ssub.s32 s8, s9;
	s8 =	smul.u32 $0xB0, s11;
	s11 =	sadd.s32 s12, s5  }
0x32: {  	s10 =	sshll.u32 s10, $0xE;
	s11 =	sadd.s32 s7, s11;
	s12 =	sand.u32 $0x7, s9  }
0x33: {  	s9 =	sshrl.u32 s9, $0x3;
	s11 =	sadd.s32 s8, s11;
	s12 =	sshll.u32 s12, $0x12  }
0x34: {  	s10 =	sand.u32 $0x4000, s10;
	s14 =	sadd.s32 s9, s11;
	s11 =	sor.u32 $0x80, s12  }
0x35: {  	[tilespmem:s10], [sflag:$0x1] =	stream.strided.gather [hbm4b:s14+s11], $0x400, s24, s11, $0x38;
	[tilespmem:$0x10000] =	vst v63  }
0x36: {  	s14 =	rddreg [dreg:$0x4]  }
0x37: {  	s12 =	sadd.s32 s5, s14  }
0x38: {  	s12 =	sadd.s32 s7, s12  }
0x39: {  	s12 =	sadd.s32 s8, s12  }
0x3a: {  	s14 =	sor.u32 $0x400, s10;
	s12 =	sadd.s32 s9, s12  }
0x3b: {  	[tilespmem:s14], [sflag:$0x1] =	stream.strided.gather [hbm4b:s12+s11], $0x400, s24, s11, $0x38;
	[tilespmem:$0x10000] =	vst v63  }
0x3c: {  	s14 =	rddreg [dreg:$0x5]  }
0x3d: {  	s12 =	sadd.s32 s5, s14  }
0x3e: {  	s12 =	sadd.s32 s7, s12  }
0x3f: {  	s12 =	sadd.s32 s8, s12  }
0x40: {  	s14 =	sor.u32 $0x800, s10;
	s12 =	sadd.s32 s9, s12  }
0x41: {  	[tilespmem:s14], [sflag:$0x1] =	stream.strided.gather [hbm4b:s12+s11], $0x400, s24, s11, $0x38;
	[tilespmem:$0x10000] =	vst v63  }
0x42: {  	s14 =	rddreg [dreg:$0x6]  }
0x43: {  	s12 =	sadd.s32 s5, s14  }
0x44: {  	s12 =	sadd.s32 s7, s12  }
0x45: {  	s12 =	sadd.s32 s8, s12  }
0x46: {  	s14 =	sor.u32 $0xC00, s10;
	s12 =	sadd.s32 s9, s12  }
0x47: {  	[tilespmem:s14], [sflag:$0x1] =	stream.strided.gather [hbm4b:s12+s11], $0x400, s24, s11, $0x38;
	[tilespmem:$0x10000] =	vst v63  }
0x48: {  	s14 =	rddreg [dreg:$0x7]  }
0x49: {  	s12 =	sadd.s32 s5, s14  }
0x4a: {  	s12 =	sadd.s32 s7, s12  }
0x4b: {  	s12 =	sadd.s32 s8, s12  }
0x4c: {  	s14 =	sor.u32 $0x1000, s10;
	s12 =	sadd.s32 s9, s12  }
0x4d: {  	[tilespmem:s14], [sflag:$0x1] =	stream.strided.gather [hbm4b:s12+s11], $0x400, s24, s11, $0x38;
	[tilespmem:$0x10000] =	vst v63  }
0x4e: {  	s14 =	rddreg [dreg:$0x8]  }
0x4f: {  	s12 =	sadd.s32 s5, s14  }
0x50: {  	s12 =	sadd.s32 s7, s12  }
0x51: {  	s12 =	sadd.s32 s8, s12  }
0x52: {  	s14 =	sor.u32 $0x1400, s10;
	s12 =	sadd.s32 s9, s12  }
0x53: {  	[tilespmem:s14], [sflag:$0x1] =	stream.strided.gather [hbm4b:s12+s11], $0x400, s24, s11, $0x38;
	[tilespmem:$0x10000] =	vst v63  }
0x54: {  	s14 =	rddreg [dreg:$0x9]  }
0x55: {  	s12 =	sadd.s32 s5, s14  }
0x56: {  	s12 =	sadd.s32 s7, s12  }
0x57: {  	s12 =	sadd.s32 s8, s12  }
0x58: {  	s14 =	sor.u32 $0x1800, s10;
	s12 =	sadd.s32 s9, s12  }
0x59: {  	[tilespmem:s14], [sflag:$0x1] =	stream.strided.gather [hbm4b:s12+s11], $0x400, s24, s11, $0x38;
	[tilespmem:$0x10000] =	vst v63  }
0x5a: {  	s14 =	rddreg [dreg:$0xa]  }
0x5b: {  	s12 =	sadd.s32 s5, s14  }
0x5c: {  	s12 =	sadd.s32 s7, s12  }
0x5d: {  	s12 =	sadd.s32 s8, s12  }
0x5e: {  	s14 =	sor.u32 $0x1C00, s10;
	s12 =	sadd.s32 s9, s12  }
0x5f: {  	[tilespmem:s14], [sflag:$0x1] =	stream.strided.gather [hbm4b:s12+s11], $0x400, s24, s11, $0x38;
	[tilespmem:$0x10000] =	vst v63  }
0x60: {  	s14 =	sadd.s32 s5, s15  }
0x61: {  	s12 =	sadd.s32 s7, s14  }
0x62: {  	s12 =	sadd.s32 s8, s12  }
0x63: {  	s14 =	sor.u32 $0x2000, s10;
	s12 =	sadd.s32 s9, s12  }
0x64: {  	[tilespmem:s14], [sflag:$0x1] =	stream.strided.gather [hbm4b:s12+s11], $0x400, s24, s11, $0x38;
	[tilespmem:$0x10000] =	vst v63  }
0x65: {  	s14 =	sadd.s32 s5, s16  }
0x66: {  	s12 =	sadd.s32 s7, s14  }
0x67: {  	s12 =	sadd.s32 s8, s12  }
0x68: {  	s14 =	sor.u32 $0x2400, s10;
	s12 =	sadd.s32 s9, s12  }
0x69: {  	[tilespmem:s14], [sflag:$0x1] =	stream.strided.gather [hbm4b:s12+s11], $0x400, s24, s11, $0x38;
	[tilespmem:$0x10000] =	vst v63  }
0x6a: {  	s14 =	sadd.s32 s5, s17  }
0x6b: {  	s12 =	sadd.s32 s7, s14  }
0x6c: {  	s12 =	sadd.s32 s8, s12  }
0x6d: {  	s14 =	sor.u32 $0x2800, s10;
	s12 =	sadd.s32 s9, s12  }
0x6e: {  	[tilespmem:s14], [sflag:$0x1] =	stream.strided.gather [hbm4b:s12+s11], $0x400, s24, s11, $0x38;
	[tilespmem:$0x10000] =	vst v63  }
0x6f: {  	s14 =	sadd.s32 s5, s18  }
0x70: {  	s12 =	sadd.s32 s7, s14  }
0x71: {  	s12 =	sadd.s32 s8, s12  }
0x72: {  	s14 =	sor.u32 $0x2C00, s10;
	s12 =	sadd.s32 s9, s12  }
0x73: {  	[tilespmem:s14], [sflag:$0x1] =	stream.strided.gather [hbm4b:s12+s11], $0x400, s24, s11, $0x38;
	[tilespmem:$0x10000] =	vst v63  }
0x74: {  	s14 =	sadd.s32 s5, s19  }
0x75: {  	s12 =	sadd.s32 s7, s14  }
0x76: {  	s12 =	sadd.s32 s8, s12  }
0x77: {  	s14 =	sor.u32 $0x3000, s10;
	s12 =	sadd.s32 s9, s12  }
0x78: {  	[tilespmem:s14], [sflag:$0x1] =	stream.strided.gather [hbm4b:s12+s11], $0x400, s24, s11, $0x38;
	[tilespmem:$0x10000] =	vst v63  }
0x79: {  	s14 =	sadd.s32 s5, s20  }
0x7a: {  	s12 =	sadd.s32 s7, s14  }
0x7b: {  	s12 =	sadd.s32 s8, s12  }
0x7c: {  	s14 =	sor.u32 $0x3400, s10;
	s12 =	sadd.s32 s9, s12  }
0x7d: {  	[tilespmem:s14], [sflag:$0x1] =	stream.strided.gather [hbm4b:s12+s11], $0x400, s24, s11, $0x38;
	[tilespmem:$0x10000] =	vst v63  }
0x7e: {  	s14 =	sadd.s32 s5, s21  }
0x7f: {  	s5 =	sadd.s32 s5, s22;
	s12 =	sadd.s32 s7, s14  }
0x80: {  	s5 =	sadd.s32 s7, s5;
	s12 =	sadd.s32 s8, s12  }
0x81: {  	s14 =	sor.u32 $0x3800, s10;
	s5 =	sadd.s32 s8, s5;
	s12 =	sadd.s32 s9, s12  }
0x82: {  	[tilespmem:s14], [sflag:$0x1] =	stream.strided.gather [hbm4b:s12+s11], $0x400, s24, s11, $0x38;
	[tilespmem:$0x10000] =	vst v63  }
0x83: {  	s5 =	sadd.s32 s9, s5;
	s14 =	sor.u32 $0x3C00, s10  }
0x84: {  	[tilespmem:s14], [sflag:$0x1] =	stream.strided.gather [hbm4b:s5+s11], $0x400, s24, s11, $0x38;
	[tilespmem:$0x10000] =	vst v63  }
.LBB1_3:
0x85: {  	s5 =	sadd.s32 $0xFFFFFFFF, s31  }
0x86: {  	p0 =	sge.u32 s5, s6  }
.Ltmp3:
0x87: {  	_ = 	snop;
	(pc) =	sbr.rel @p0 .LBB1_9-.Ltmp3, $1  }
0x88: {  	_ =	sdelay $0x3  }
0x89: {  	s5 =	sand.u32 $0x4000, s26  }
0x8a: {  	_ =	swait.ge [sflag:s13], $0x4000;
	s9 =	sshll.u32 s31, $0xE;
	s7 =	sor.u32 $0x70, s5  }
0x8b: {  	s8 =	sor.u32 $0x8040, s5;
	[sflag:s13] =	ssyncset.done $0x0;
	s14 =	sand.u32 $0x4000, s9  }
0x8c: {  	s9 =	simm.s32 $0x0;
	[sflag:s13] =	ssyncadd.s32 $0xFFFFC000;
	s5 =	sor.u32 $0x8000, s14  }
.LBB1_5:
0x8d: {  	v1 =	vmov s7;
	_ =	sdelay $0x3  }
0x8e: {  	s10 =	simm.s32 $0x0  }
0x8f: {  	v7 =	vld.idx.msk [tilespmem:v1+s10+$0x0 ss:$0x1], $0xffff  }
0x90: {  	v0 =	vmov s8;
	v8 =	vld.idx.msk [tilespmem:v1+s10+$0xFFFFFF90 ss:$0x1], $0xffff  }
0x91: {  	v6 =	vld.idx.msk [tilespmem:v1+s10+$0xFFFFFFA0 ss:$0x1], $0xffff  }
0x92: {  	v5 =	vld.idx.msk [tilespmem:v1+s10+$0xFFFFFFB0 ss:$0x1], $0xffff  }
0x93: {  	v4 =	vld.idx.msk [tilespmem:v1+s10+$0xFFFFFFC0 ss:$0x1], $0xffff  }
0x94: {  	v2 =	vld.idx.msk [tilespmem:v1+s10+$0xFFFFFFD0 ss:$0x1], $0xffff  }
0x95: {  	v3 =	vld.idx.msk [tilespmem:v1+s10+$0xFFFFFFE0 ss:$0x1], $0xffff;
	[tilespmem:v0+s10+$0x30 ss:$0x1] =	vst.idx.msk $0xffff, v7  }
0x96: {  	s11 =	simm.s32 $0x80;
	s12 =	simm.s32 $0x400;
	[tilespmem:v0+s10+$0xFFFFFFC0 ss:$0x1] =	vst.idx.msk $0xffff, v8;
	v7 =	vld.idx.msk [tilespmem:v1+s10+$0xFFFFFFF0 ss:$0x1], $0xffff  }
.LBB1_6:
0x97: {  	p0 =	sne.s32 s12, $0xE00;
	v8 =	vld.idx.msk [tilespmem:v1+s11+$0x0 ss:$0x1], $0xffff;
	[tilespmem:v0+s10+$0xFFFFFFD0 ss:$0x1] =	vst.idx.msk $0xffff, v6  }
0x98: {  	v9 =	vld.idx.msk [tilespmem:v1+s11+$0xFFFFFF90 ss:$0x1], $0xffff;
	[tilespmem:v0+s10+$0xFFFFFFE0 ss:$0x1] =	vst.idx.msk $0xffff, v5  }
0x99: {  	v6 =	vld.idx.msk [tilespmem:v1+s11+$0xFFFFFFA0 ss:$0x1], $0xffff;
	[tilespmem:v0+s10+$0xFFFFFFF0 ss:$0x1] =	vst.idx.msk $0xffff, v4  }
.Ltmp4:
0x9a: {  	v5 =	vld.idx.msk [tilespmem:v1+s11+$0xFFFFFFB0 ss:$0x1], $0xffff;
	[tilespmem:v0+s10+$0x0 ss:$0x1] =	vst.idx.msk $0xffff, v2;
	(pc) =	sbr.rel @p0 .LBB1_6-.Ltmp4, $4  }
0x9b: {  	v4 =	vld.idx.msk [tilespmem:v1+s11+$0xFFFFFFC0 ss:$0x1], $0xffff;
	[tilespmem:v0+s10+$0x10 ss:$0x1] =	vst.idx.msk $0xffff, v3  }
0x9c: {  	v2 =	vld.idx.msk [tilespmem:v1+s11+$0xFFFFFFD0 ss:$0x1], $0xffff;
	[tilespmem:v0+s10+$0x20 ss:$0x1] =	vst.idx.msk $0xffff, v7;
	s10 =	smov.u32 s11  }
0x9d: {  	v3 =	vld.idx.msk [tilespmem:v1+s10+$0xFFFFFFE0 ss:$0x1], $0xffff;
	[tilespmem:v0+s10+$0x30 ss:$0x1] =	vst.idx.msk $0xffff, v8  }
0x9e: {  	s11 =	sshra.s32 s12, $0x2;
	s12 =	sadd.s32 $0x200, s12;
	[tilespmem:v0+s10+$0xFFFFFFC0 ss:$0x1] =	vst.idx.msk $0xffff, v9;
	v7 =	vld.idx.msk [tilespmem:v1+s10+$0xFFFFFFF0 ss:$0x1], $0xffff  }
0x9f: {  	_ =	sdelay $0x3  }
0xa0: {  	[tilespmem:v0+s10+$0xFFFFFFD0 ss:$0x1] =	vst.idx.msk $0xffff, v6  }
0xa1: {  	v56 =	vld.idx.msk [tilespmem:v1+s11+$0x0 ss:$0x1], $0xffff;
	[tilespmem:v0+s10+$0xFFFFFFE0 ss:$0x1] =	vst.idx.msk $0xffff, v5  }
0xa2: {  	v57 =	vld.idx.msk [tilespmem:v1+s11+$0xFFFFFF90 ss:$0x1], $0xffff;
	[tilespmem:v0+s10+$0xFFFFFFF0 ss:$0x1] =	vst.idx.msk $0xffff, v4  }
0xa3: {  	v58 =	vld.idx.msk [tilespmem:v1+s11+$0xFFFFFFA0 ss:$0x1], $0xffff;
	[tilespmem:v0+s10+$0x0 ss:$0x1] =	vst.idx.msk $0xffff, v2  }
0xa4: {  	v59 =	vld.idx.msk [tilespmem:v1+s11+$0xFFFFFFB0 ss:$0x1], $0xffff;
	[tilespmem:v0+s10+$0x10 ss:$0x1] =	vst.idx.msk $0xffff, v3  }
0xa5: {  	v60 =	vld.idx.msk [tilespmem:v1+s11+$0xFFFFFFC0 ss:$0x1], $0xffff;
	[tilespmem:v0+s10+$0x20 ss:$0x1] =	vst.idx.msk $0xffff, v7  }
0xa6: {  	v61 =	vld.idx.msk [tilespmem:v1+s11+$0xFFFFFFD0 ss:$0x1], $0xffff;
	[tilespmem:v0+s11+$0x30 ss:$0x1] =	vst.idx.msk $0xffff, v56  }
0xa7: {  	v62 =	vld.idx.msk [tilespmem:v1+s11+$0xFFFFFFE0 ss:$0x1], $0xffff;
	s9 =	sadd.s32 $0x1, s9;
	[tilespmem:v0+s11+$0xFFFFFFC0 ss:$0x1] =	vst.idx.msk $0xffff, v57  }
0xa8: {  	v63 =	vld.idx.msk [tilespmem:v1+s11+$0xFFFFFFF0 ss:$0x1], $0xffff;
	p0 =	sne.s32 s9, $0x10;
	[tilespmem:v0+s11+$0xFFFFFFD0 ss:$0x1] =	vst.idx.msk $0xffff, v58  }
.Ltmp5:
0xa9: {  	[tilespmem:v0+s11+$0xFFFFFFE0 ss:$0x1] =	vst.idx.msk $0xffff, v59;
	(pc) =	sbr.rel @p0 .LBB1_5-.Ltmp5, $4  }
0xaa: {  	[tilespmem:v0+s11+$0xFFFFFFF0 ss:$0x1] =	vst.idx.msk $0xffff, v60  }
0xab: {  	[tilespmem:v0+s11+$0x0 ss:$0x1] =	vst.idx.msk $0xffff, v61  }
0xac: {  	[tilespmem:v0+s11+$0x10 ss:$0x1] =	vst.idx.msk $0xffff, v62  }
0xad: {  	s7 =	sadd.s32 $0x400, s7;
	s8 =	sadd.s32 $0x400, s8;
	[tilespmem:v0+s11+$0x20 ss:$0x1] =	vst.idx.msk $0xffff, v63  }
0xae: {  	s7 =	sshrl.u32 s4, $0x3  }
0xaf: {  	s8 =	sshll.u32 s25, $0x3;
	s7 =	smul.u32 $0x2C00, s7  }
0xb0: {  	s10 =	sshll.u32 s4, $0x7;
	s8 =	sand.u32 $0xFFFFFC00, s8  }
0xb1: {  	s4 =	sand.u32 $0x380, s10;
	s7 =	sadd.s32 s7, s8  }
0xb2: {  	s11 =	sand.u32 $0x7F, s25;
	s4 =	sor.u32 s4, s7  }
0xb3: {  	s7 =	sor.u32 s11, s4;
	s4 =	smulhi.u32 $0xBA2E8BA3, s4;
	_ =	sdelay $0x1  }
0xb4: {  	s0 =	smul.u32 $0x14A00, s0;
	s4 =	sshrl.u32 s4, $0xA  }
0xb5: {  	s9 =	smulhi.u32 $0x3333334, s4  }
0xb6: {  	s8 =	smulhi.u32 $0xBA2E8BA3, s7  }
0xb7: {  	s9 =	smul.u32 $0x50, s9  }
0xb8: {  	s2 =	smul.u32 $0x3700, s2;
	s8 =	sshrl.u32 s8, $0xA  }
0xb9: {  	s8 =	smul.u32 $0x580, s8;
	s4 =	ssub.s32 s4, s9  }
0xba: {  	s12 =	rddreg [dreg:$0x3];
	s4 =	smul.u32 $0xB0, s4  }
.Ltmp6:
0xbb: {  	s0 =	sadd.s32 s12, s0;
	s7 =	ssub.s32 s7, s8;
	(pc) =	sbr.rel .LBB1_9-.Ltmp6, $4  }
0xbc: {  	s0 =	sadd.s32 s2, s0;
	s14 =	sand.u32 $0x7, s7  }
0xbd: {  	s7 =	sshrl.u32 s7, $0x3;
	s2 =	sshll.u32 s14, $0x12;
	s0 =	sadd.s32 s4, s0  }
0xbe: {  	s25 =	simm.s32 $0xA5000;
	s2 =	sor.u32 $0x400, s2;
	s0 =	sadd.s32 s7, s0  }
0xbf: {  	[hbm4b:s0+s2] =	stream.strided.scatter [tilespmem:s5], [sflag:$0x2], $0x4000, s25, s2, $0x38;
	[tilespmem:$0x10000] =	vst v63  }
.LBB1_10:
0xc0: {  	_ =	sfence.sel $0x180000  }
0xc1: {  	s0 =	simm.s32 $0x1;
	[bflag:$0x0] =	sbarrier.arrive $0xFFFF  }
0xc2: {  	s30 =	simm.s32 $0x2;
	[sflag:s0] =	ssyncpa.u1 $0x1  }
0xc3: {  	[sflag:s30] =	ssyncpa.u1 $0x1  }
0xc4: {  	_ =	strace $0x9000004A  }
0xc5: {  	s31 =	stileid.u32;
	[bflag:$0x2] =	sbarrier.arrive $0xFFFF  }
0xc6: {  	p0 =	sne.s32 s31, $0x0;
	s0 =	rddreg [dreg:$0x1]  }
0xc7: {  	s0 =	sadd.s32 @!p0 $0x100000, s0  }
0xc8: {  	[sflag:s0] =	ssyncadd.tile.s32 @!p0 $0x1;
	_ =	shalt  }
.Lfunc_end1:
_tile_overlayer_lowered:
.L_overlay_start_2:
0xc9: {  	(tag) =	ssettag $0x2  }
0xca: {  	s0 =	rddreg [dreg:$0x0];
	s2 =	stileid.u32  }
0xcb: {  	s1 =	rddreg [dreg:$0x1];
	p0 =	sne.s32 s2, $0x0  }
0xcc: {  	s3 =	rddreg [dreg:$0x2];
	[bflag:$0x3] =	sbarrier.arrive $0xFFFF;
	s2 =	simm.s32 @!p0 $0x1C01  }
0xcd: {  	[timem:s3], [sflag:s2] =	dma.local @!p0 [hbm:s0], s1  }
0xce: {  	s0 =	simm.s32 @!p0 $0x1  }
0xcf: {  	_ =	swait.ge @!p0 [sflag:s0], s1  }
0xd0: {  	s1 =	ssub.s32 @!p0 $0x0, s1;
	[sflag:s0] =	ssyncset.done @!p0 $0x0  }
0xd1: {  	[sflag:s0] =	ssyncadd.s32 @!p0 s1  }
0xd2: {  	[bflag:$0x3] =	sbarrier.arrive $0xFFFF  }
0xd3: {  	_ =	shalt  }

</sc_bundles>
